<compile_context>
chip_gen: v7x
topology: tpu7x:2x2x1
jax: 0.10.2.dev20260603
libtpu: 0.0.44.dev20260713+nightly
codegen_flags: <defaults>
</compile_context>

<pallas_src>
import functools

import jax
import jax.numpy as jnp
from jax import lax
from jax.experimental import pallas as pl
from jax.experimental.pallas import tpu as pltpu
from jax.experimental.pallas import tpu_sc as plsc

_KSET = (100.0, 100.0, 100.0)
_NS = 16
_NC = 2
_CH = 128
_HALF = 128


def _tc_bw7(bcp, w7):
    def body(b_ref, w_ref, o_ref):
        o_ref[...] = jnp.dot(b_ref[...], w_ref[...],
                             preferred_element_type=jnp.float32,
                             precision=lax.Precision.HIGHEST)
    return pl.pallas_call(
        body,
        out_shape=jax.ShapeDtypeStruct((bcp.shape[0], w7.shape[1]), jnp.float32),
    )(bcp, w7)


def _tc_build_g(x, a0, a1, a2, bw, w7, scales):
    n, d = x.shape
    bn = 1024
    nb = bw.shape[0]

    def body(x_ref, a0_ref, a1_ref, a2_ref, bw_ref, w_ref, o_ref):
        xb = x_ref[...]
        g = jnp.dot(xb, w_ref[...], preferred_element_type=jnp.float32,
                    precision=lax.Precision.HIGHEST)
        col = lax.broadcasted_iota(jnp.int32, (xb.shape[0], nb), 1)
        cnt = ((a0_ref[...][:, None] == col).astype(jnp.float32) * scales[0]
               + (a1_ref[...][:, None] == col).astype(jnp.float32) * scales[1]
               + (a2_ref[...][:, None] == col).astype(jnp.float32) * scales[2])
        g = g + jnp.dot(cnt, bw_ref[...], preferred_element_type=jnp.float32,
                        precision=lax.Precision.HIGHEST)
        o_ref[0] = g[:, :_HALF]
        o_ref[1] = g[:, _HALF:]

    return pl.pallas_call(
        body,
        grid=(pl.cdiv(n, bn),),
        in_specs=[
            pl.BlockSpec((bn, d), lambda i: (i, 0)),
            pl.BlockSpec((bn,), lambda i: (i,)),
            pl.BlockSpec((bn,), lambda i: (i,)),
            pl.BlockSpec((bn,), lambda i: (i,)),
            pl.BlockSpec((nb, d), lambda i: (0, 0)),
            pl.BlockSpec((d, d), lambda i: (0, 0)),
        ],
        out_specs=pl.BlockSpec((2, bn, _HALF), lambda i: (0, i, 0)),
        out_shape=jax.ShapeDtypeStruct((2, n, _HALF), jnp.float32),
    )(x, a0, a1, a2, bw, w7)


def _sc_aggregate(g2, srcs4, dst3, zacc, zdeg1, ones1, n):
    zr = 8 * (-(-(n + 1) // (8 * _NS)))
    nacc = _NS * zr
    dzr = 128 * (-(-zr // 128))
    ndeg = _NS * dzr
    nch = srcs4.shape[2]
    mesh = plsc.VectorSubcoreMesh(core_axis_name="c", subcore_axis_name="s")

    @functools.partial(
        pl.kernel,
        out_type=(jax.ShapeDtypeStruct((_NC, nacc, _HALF), jnp.float32),
                  jax.ShapeDtypeStruct((_NC * ndeg,), jnp.float32)),
        mesh=mesh,
        scratch_types=[
            pltpu.VMEM((_CH,), jnp.int32),
            pltpu.VMEM((_CH,), jnp.int32),
            pltpu.VMEM((_CH,), jnp.int32),
            pltpu.VMEM((_CH,), jnp.int32),
            pltpu.VMEM((_CH, _HALF), jnp.float32),
            pltpu.VMEM((_CH, _HALF), jnp.float32),
            pltpu.VMEM((_CH,), jnp.float32),
            pltpu.VMEM_SHARED((nacc, _HALF), jnp.float32),
            pltpu.VMEM_SHARED((ndeg,), jnp.float32),
            pltpu.SemaphoreType.DMA,
            pltpu.SemaphoreType.DMA,
        ],
    )
    def k(g2_hbm, srcs4_hbm, dst3_hbm, zacc_hbm, zdeg1_hbm, ones1_hbm,
          acc_out, deg_out, sidx0, sidx1, didx0, didx1, rows0, rows1,
          ones_v, acc_sh, deg_sh, sem0, sem1):
        c = lax.axis_index("c")
        s = lax.axis_index("s")
        pltpu.sync_copy(zacc_hbm, acc_sh.at[pl.ds(s * zr, zr)])
        pltpu.sync_copy(zdeg1_hbm, deg_sh.at[pl.ds(s * dzr, dzr)])
        pltpu.sync_copy(ones1_hbm, ones_v)
        plsc.subcore_barrier()

        pltpu.sync_copy(srcs4_hbm.at[c, s, 0], sidx0)
        pltpu.sync_copy(dst3_hbm.at[s, 0], didx0)
        pltpu.async_copy(g2_hbm.at[sidx0], rows0, sem0)

        def body(i, carry):
            b0 = 2 * i
            b1 = b0 + 1
            pltpu.sync_copy(srcs4_hbm.at[c, s, b1], sidx1)
            pltpu.sync_copy(dst3_hbm.at[s, b1], didx1)
            pltpu.async_copy(g2_hbm.at[sidx1], rows1, sem1)

            @pl.when(c == 0)
            def _deg0():
                pltpu.sync_copy(ones_v, deg_sh.at[didx0], add=True)

            pltpu.make_async_copy(g2_hbm.at[pl.ds(0, _CH)], rows0, sem0).wait()
            pltpu.sync_copy(rows0, acc_sh.at[didx0], add=True)

            @pl.when(b0 + 2 < nch)
            def _next():
                pltpu.sync_copy(srcs4_hbm.at[c, s, b0 + 2], sidx0)
                pltpu.sync_copy(dst3_hbm.at[s, b0 + 2], didx0)
                pltpu.async_copy(g2_hbm.at[sidx0], rows0, sem0)

            @pl.when(c == 1)
            def _deg1():
                pltpu.sync_copy(ones_v, deg_sh.at[didx1], add=True)

            pltpu.make_async_copy(g2_hbm.at[pl.ds(0, _CH)], rows1, sem1).wait()
            pltpu.sync_copy(rows1, acc_sh.at[didx1], add=True)
            return carry
        lax.fori_loop(0, nch // 2, body, 0)
        plsc.subcore_barrier()

        pltpu.sync_copy(acc_sh.at[pl.ds(s * zr, zr)],
                        acc_out.at[c, pl.ds(s * zr, zr)])
        pltpu.sync_copy(deg_sh.at[pl.ds(s * dzr, dzr)],
                        deg_out.at[pl.ds(c * ndeg + s * dzr, dzr)])

    return k(g2, srcs4, dst3, zacc, zdeg1, ones1)


def _tc_divide(acc, deg, n):
    bn = 1024

    def body(a_ref, d_ref, o_ref):
        r = (1.0 / jnp.maximum(d_ref[0] + d_ref[1], 1.0))[:, None]
        o_ref[:, 0:_HALF] = a_ref[0] * r
        o_ref[:, _HALF:] = a_ref[1] * r

    return pl.pallas_call(
        body,
        grid=(pl.cdiv(n, bn),),
        in_specs=[
            pl.BlockSpec((2, bn, _HALF), lambda i: (0, i, 0)),
            pl.BlockSpec((2, bn), lambda i: (0, i)),
        ],
        out_specs=pl.BlockSpec((bn, 2 * _HALF), lambda i: (i, 0)),
        out_shape=jax.ShapeDtypeStruct((n, 2 * _HALF), jnp.float32),
    )(acc, deg)


def kernel(x, edge_index, bc_feature, bc_assigment, W7):
    n, d = x.shape
    e = edge_index.shape[1]
    nblk = bc_feature.shape[0]

    bcp = jnp.zeros((128, d), jnp.float32).at[:nblk].set(bc_feature)
    bw = _tc_bw7(bcp, W7)
    a = bc_assigment.reshape(len(_KSET), n).astype(jnp.int32)
    scales = tuple(kk / n for kk in _KSET)
    g = _tc_build_g(x, a[0], a[1], a[2], bw, W7, scales)
    g2 = g.reshape(2 * n, _HALF)

    src = edge_index[0].astype(jnp.int32)
    dst = edge_index[1].astype(jnp.int32)
    nb_t = 8 * (-(-(-(-e // (_NS * _CH))) // 8))
    ept = nb_t * _CH
    pad = ept * _NS - e
    src_p = jnp.concatenate([src, jnp.zeros((pad,), jnp.int32)])
    dst_p = jnp.concatenate([dst, jnp.full((pad,), n, jnp.int32)])
    src3 = src_p.reshape(_NS, ept // _CH, _CH)
    srcs4 = jnp.stack([src3, src3 + n])
    dst3 = dst_p.reshape(_NS, ept // _CH, _CH)

    zr = 8 * (-(-(n + 1) // (8 * _NS)))
    zacc = jnp.zeros((zr, _HALF), jnp.float32)
    zdeg1 = jnp.zeros((128 * (-(-zr // 128)),), jnp.float32)
    ones1 = jnp.ones((_CH,), jnp.float32)

    acc, deg = _sc_aggregate(g2, srcs4, dst3, zacc, zdeg1, ones1, n)
    deg = deg.reshape(_NC, deg.shape[0] // _NC)

    return _tc_divide(acc, deg, n)

# --- scband reference (transcript-rebuilt; emitter-appended) ---
"""Pipeline reference for scband-bcmplayer3-88467736363035 (READ-ONLY COPY).

The authoritative reference and input builder live on the scoring server;
editing this copy changes nothing except your own understanding.
"""

import jax, jax.numpy as jnp
import numpy as np

N = 10000
E = 160000
D = 256
K = 4
KSET = [100, 100, 100]
NUM_BLOCKS = 100


def setup_inputs(seed: int = 0) -> dict:
    key = jax.random.key(seed)
    k1, k2, k3, k4, k5 = jax.random.split(key, 5)
    x = jax.random.normal(k1, (N, D), dtype=jnp.float32)
    edge_index = jax.random.randint(k2, (2, E), 0, N)
    bc_feature = jax.random.normal(k3, (NUM_BLOCKS, D), dtype=jnp.float32)
    bc_assigment = jax.random.randint(k4, ((K - 1) * N,), 0, NUM_BLOCKS)
    # learned parameter of baselayer7 = BaseLayer(dimWX[0], dimWX[1]) -> GCN-style conv weight
    W7 = jax.random.normal(k5, (D, D), dtype=jnp.float32) * (1.0 / np.sqrt(D))
    return {"x": x, "edge_index": edge_index, "bc_feature": bc_feature, "bc_assigment": bc_assigment, "W7": W7}


def _gcn_layer(h, edge_index, W):
    # BaseLayer assumed to be a GCN-style conv: mean-aggregate neighbor features, then linear.
    src = edge_index[0]
    dst = edge_index[1]
    msgs = jnp.take(h, src, axis=0)                      # gather [E, D]
    agg = jax.ops.segment_sum(msgs, dst, num_segments=N)  # scatter-add [N, D]
    deg = jax.ops.segment_sum(jnp.ones((E,), dtype=h.dtype), dst, num_segments=N)
    agg = agg / jnp.clip(deg, 1.0)[:, None]
    return agg @ W


def reference(x, edge_index, bc_feature, bc_assigment, W7):
    n = x.shape[0]
    # Zreshaped = sum over k-1 chunks of Z[assign_chunk] / (N / kset[i])
    Zreshaped = jnp.take(bc_feature, bc_assigment[:n], axis=0) / (n / KSET[0])
    for i in range(K - 2):
        idx = bc_assigment[(i + 1) * n:(i + 2) * n]
        Zreshaped = Zreshaped + jnp.take(bc_feature, idx, axis=0) / (n / KSET[i + 1])
    Xprime = _gcn_layer(x + Zreshaped, edge_index, W7)
    return Xprime

if __name__ == "__main__":
    import jax
    _d = setup_inputs()
    print(jax.jit(kernel)(*tuple(_d.values())))

</pallas_src>

<mosaic_0001>
#map = affine_map<(d0, d1) -> (0, 0)>
#map1 = affine_map<(d0, d1) -> (0, 0, 0, 0)>
#map2 = affine_map<(d0, d1) -> (0, 0, 0)>
#map3 = affine_map<(d0, d1) -> (0)>
module attributes {stable_mosaic.version = 14 : i64} {
  func.func @k(%arg0: i32, %arg1: i32, %arg2: memref<20000x128xf32, #tpu.memory_space<hbm>>, %arg3: memref<2x16x80x128xi32, #tpu.memory_space<hbm>>, %arg4: memref<16x80x128xi32, #tpu.memory_space<hbm>>, %arg5: memref<632x128xf32, #tpu.memory_space<hbm>>, %arg6: memref<640xf32, #tpu.memory_space<hbm>>, %arg7: memref<128xf32, #tpu.memory_space<hbm>>, %arg8: memref<2x10112x128xf32, #tpu.memory_space<hbm>>, %arg9: memref<20480xf32, #tpu.memory_space<hbm>>, %arg10: memref<128xi32, #tpu.memory_space<vmem>>, %arg11: memref<128xi32, #tpu.memory_space<vmem>>, %arg12: memref<128xi32, #tpu.memory_space<vmem>>, %arg13: memref<128xi32, #tpu.memory_space<vmem>>, %arg14: memref<128x128xf32, #tpu.memory_space<vmem>>, %arg15: memref<128x128xf32, #tpu.memory_space<vmem>>, %arg16: memref<128xf32, #tpu.memory_space<vmem>>, %arg17: memref<10112x128xf32, #tpu.memory_space<vmem_shared>>, %arg18: memref<10240xf32, #tpu.memory_space<vmem_shared>>, %arg19: memref<!tpu.dma_semaphore, #tpu.memory_space<semaphore_mem>>, %arg20: memref<!tpu.dma_semaphore, #tpu.memory_space<semaphore_mem>>) attributes {dimension_semantics = [#tpu.dimension_semantics<core_parallel>, #tpu.dimension_semantics<subcore_parallel>], iteration_bounds = array<i64: 2, 16>, scalar_prefetch = 0 : i64, scratch_operands = 11 : i64, tpu.core_type = #tpu.core_type<sc_vector_subcore>, window_params = [{transform_indices = #map}, {transform_indices = #map1}, {transform_indices = #map2}, {transform_indices = #map}, {transform_indices = #map3}, {transform_indices = #map3}, {transform_indices = #map2}, {transform_indices = #map3}]} {
    %mul3A = arith.constant 632 : i32
    %mul3A_0 = arith.muli %arg1, %mul3A : i32
    "tpu.region"() ({
      %run_scoped3A_22 = tpu.sem_alloc : memref<!tpu.dma_semaphore, #tpu.memory_space<semaphore_mem>>
      %dma_start3A_23 = arith.constant 0 : i32
      %dma_start3A_24 = tpu.memref_slice %arg17[%mul3A_0, %dma_start3A_23] : memref<10112x128xf32, #tpu.memory_space<vmem_shared>> -> memref<632x128xf32, #tpu.memory_space<vmem_shared>>
      tpu.enqueue_dma source(%arg5 : memref<632x128xf32, #tpu.memory_space<hbm>>) target(%dma_start3A_24 : memref<632x128xf32, #tpu.memory_space<vmem_shared>>) target_semaphore(%run_scoped3A_22 : memref<!tpu.dma_semaphore, #tpu.memory_space<semaphore_mem>>)
      %dma_wait3A = arith.constant 0 : i32
      %dma_wait3A_25 = tpu.memref_slice %arg17[%mul3A_0, %dma_wait3A] : memref<10112x128xf32, #tpu.memory_space<vmem_shared>> -> memref<632x128xf32, #tpu.memory_space<vmem_shared>>
      tpu.wait_dma2 semaphore(%run_scoped3A_22 : memref<!tpu.dma_semaphore, #tpu.memory_space<semaphore_mem>>) src(%arg5 : memref<632x128xf32, #tpu.memory_space<hbm>>) dst(%dma_wait3A_25 : memref<632x128xf32, #tpu.memory_space<vmem_shared>>)
      tpu.yield
    }) : () -> ()
    %mul3A_1 = arith.constant 640 : i32
    %mul3A_2 = arith.muli %arg1, %mul3A_1 : i32
    "tpu.region"() ({
      %run_scoped3A_22 = tpu.sem_alloc : memref<!tpu.dma_semaphore, #tpu.memory_space<semaphore_mem>>
      %dma_start3A_23 = tpu.memref_slice %arg18[%mul3A_2] : memref<10240xf32, #tpu.memory_space<vmem_shared>> -> memref<640xf32, #tpu.memory_space<vmem_shared>>
      tpu.enqueue_dma source(%arg6 : memref<640xf32, #tpu.memory_space<hbm>>) target(%dma_start3A_23 : memref<640xf32, #tpu.memory_space<vmem_shared>>) target_semaphore(%run_scoped3A_22 : memref<!tpu.dma_semaphore, #tpu.memory_space<semaphore_mem>>)
      %dma_wait3A = tpu.memref_slice %arg18[%mul3A_2] : memref<10240xf32, #tpu.memory_space<vmem_shared>> -> memref<640xf32, #tpu.memory_space<vmem_shared>>
      tpu.wait_dma2 semaphore(%run_scoped3A_22 : memref<!tpu.dma_semaphore, #tpu.memory_space<semaphore_mem>>) src(%arg6 : memref<640xf32, #tpu.memory_space<hbm>>) dst(%dma_wait3A : memref<640xf32, #tpu.memory_space<vmem_shared>>)
      tpu.yield
    }) : () -> ()
    "tpu.region"() ({
      %run_scoped3A_22 = tpu.sem_alloc : memref<!tpu.dma_semaphore, #tpu.memory_space<semaphore_mem>>
      tpu.enqueue_dma source(%arg7 : memref<128xf32, #tpu.memory_space<hbm>>) target(%arg16 : memref<128xf32, #tpu.memory_space<vmem>>) target_semaphore(%run_scoped3A_22 : memref<!tpu.dma_semaphore, #tpu.memory_space<semaphore_mem>>)
      tpu.wait_dma2 semaphore(%run_scoped3A_22 : memref<!tpu.dma_semaphore, #tpu.memory_space<semaphore_mem>>) src(%arg7 : memref<128xf32, #tpu.memory_space<hbm>>) dst(%arg16 : memref<128xf32, #tpu.memory_space<vmem>>)
      tpu.yield
    }) : () -> ()
    %barrier3A = arith.constant 0 : index
    tpu.barrier barrier_id(%barrier3A)
    %run_scoped3A = arith.constant 0 : i32
    "tpu.region"() ({
      %run_scoped3A_22 = tpu.sem_alloc : memref<!tpu.dma_semaphore, #tpu.memory_space<semaphore_mem>>
      %dma_start3A_23 = arith.constant 0 : i32
      %dma_start3A_24 = tpu.memref_slice %arg3[%arg0, %arg1, %run_scoped3A, %dma_start3A_23] : memref<2x16x80x128xi32, #tpu.memory_space<hbm>> -> memref<1x1x1x128xi32, #tpu.memory_space<hbm>>
      %dma_start3A_25 = tpu.memref_squeeze %dma_start3A_24 : memref<1x1x1x128xi32, #tpu.memory_space<hbm>> -> memref<128xi32, #tpu.memory_space<hbm>>
      %dma_start3A_26 = arith.constant 0 : i32
      %dma_start3A_27 = tpu.memref_slice %arg3[%arg0, %arg1, %run_scoped3A, %dma_start3A_26] : memref<2x16x80x128xi32, #tpu.memory_space<hbm>> -> memref<1x1x1x128xi32, #tpu.memory_space<hbm>>
      %dma_start3A_28 = tpu.memref_squeeze %dma_start3A_27 : memref<1x1x1x128xi32, #tpu.memory_space<hbm>> -> memref<128xi32, #tpu.memory_space<hbm>>
      tpu.enqueue_dma source(%dma_start3A_28 : memref<128xi32, #tpu.memory_space<hbm>>) target(%arg10 : memref<128xi32, #tpu.memory_space<vmem>>) target_semaphore(%run_scoped3A_22 : memref<!tpu.dma_semaphore, #tpu.memory_space<semaphore_mem>>)
      %dma_wait3A = arith.constant 0 : i32
      %dma_wait3A_29 = tpu.memref_slice %arg3[%arg0, %arg1, %run_scoped3A, %dma_wait3A] : memref<2x16x80x128xi32, #tpu.memory_space<hbm>> -> memref<1x1x1x128xi32, #tpu.memory_space<hbm>>
      %dma_wait3A_30 = tpu.memref_squeeze %dma_wait3A_29 : memref<1x1x1x128xi32, #tpu.memory_space<hbm>> -> memref<128xi32, #tpu.memory_space<hbm>>
      %dma_wait3A_31 = arith.constant 0 : i32
      %dma_wait3A_32 = tpu.memref_slice %arg3[%arg0, %arg1, %run_scoped3A, %dma_wait3A_31] : memref<2x16x80x128xi32, #tpu.memory_space<hbm>> -> memref<1x1x1x128xi32, #tpu.memory_space<hbm>>
      %dma_wait3A_33 = tpu.memref_squeeze %dma_wait3A_32 : memref<1x1x1x128xi32, #tpu.memory_space<hbm>> -> memref<128xi32, #tpu.memory_space<hbm>>
      tpu.wait_dma2 semaphore(%run_scoped3A_22 : memref<!tpu.dma_semaphore, #tpu.memory_space<semaphore_mem>>) src(%dma_wait3A_33 : memref<128xi32, #tpu.memory_space<hbm>>) dst(%arg10 : memref<128xi32, #tpu.memory_space<vmem>>)
      tpu.yield
    }) : () -> ()
    %run_scoped3A_3 = arith.constant 0 : i32
    "tpu.region"() ({
      %run_scoped3A_22 = tpu.sem_alloc : memref<!tpu.dma_semaphore, #tpu.memory_space<semaphore_mem>>
      %dma_start3A_23 = arith.constant 0 : i32
      %dma_start3A_24 = tpu.memref_slice %arg4[%arg1, %run_scoped3A_3, %dma_start3A_23] : memref<16x80x128xi32, #tpu.memory_space<hbm>> -> memref<1x1x128xi32, #tpu.memory_space<hbm>>
      %dma_start3A_25 = tpu.memref_squeeze %dma_start3A_24 : memref<1x1x128xi32, #tpu.memory_space<hbm>> -> memref<128xi32, #tpu.memory_space<hbm>>
      %dma_start3A_26 = arith.constant 0 : i32
      %dma_start3A_27 = tpu.memref_slice %arg4[%arg1, %run_scoped3A_3, %dma_start3A_26] : memref<16x80x128xi32, #tpu.memory_space<hbm>> -> memref<1x1x128xi32, #tpu.memory_space<hbm>>
      %dma_start3A_28 = tpu.memref_squeeze %dma_start3A_27 : memref<1x1x128xi32, #tpu.memory_space<hbm>> -> memref<128xi32, #tpu.memory_space<hbm>>
      tpu.enqueue_dma source(%dma_start3A_28 : memref<128xi32, #tpu.memory_space<hbm>>) target(%arg12 : memref<128xi32, #tpu.memory_space<vmem>>) target_semaphore(%run_scoped3A_22 : memref<!tpu.dma_semaphore, #tpu.memory_space<semaphore_mem>>)
      %dma_wait3A = arith.constant 0 : i32
      %dma_wait3A_29 = tpu.memref_slice %arg4[%arg1, %run_scoped3A_3, %dma_wait3A] : memref<16x80x128xi32, #tpu.memory_space<hbm>> -> memref<1x1x128xi32, #tpu.memory_space<hbm>>
      %dma_wait3A_30 = tpu.memref_squeeze %dma_wait3A_29 : memref<1x1x128xi32, #tpu.memory_space<hbm>> -> memref<128xi32, #tpu.memory_space<hbm>>
      %dma_wait3A_31 = arith.constant 0 : i32
      %dma_wait3A_32 = tpu.memref_slice %arg4[%arg1, %run_scoped3A_3, %dma_wait3A_31] : memref<16x80x128xi32, #tpu.memory_space<hbm>> -> memref<1x1x128xi32, #tpu.memory_space<hbm>>
      %dma_wait3A_33 = tpu.memref_squeeze %dma_wait3A_32 : memref<1x1x128xi32, #tpu.memory_space<hbm>> -> memref<128xi32, #tpu.memory_space<hbm>>
      tpu.wait_dma2 semaphore(%run_scoped3A_22 : memref<!tpu.dma_semaphore, #tpu.memory_space<semaphore_mem>>) src(%dma_wait3A_33 : memref<128xi32, #tpu.memory_space<hbm>>) dst(%arg12 : memref<128xi32, #tpu.memory_space<vmem>>)
      tpu.yield
    }) : () -> ()
    %dma_start3A = arith.constant 0 : i32
    %dma_start3A_4 = arith.constant 0 : i32
    %dma_start3A_5 = tpu.memref_slice %arg2[%dma_start3A, %dma_start3A_4] : memref<20000x128xf32, #tpu.memory_space<hbm>> -> memref<20000x128xf32, #tpu.memory_space<hbm>>
    tpu.enqueue_indirect_dma source(%dma_start3A_5 : memref<20000x128xf32, #tpu.memory_space<hbm>>) target(%arg14 : memref<128x128xf32, #tpu.memory_space<vmem>>) offsets(%arg10 : memref<128xi32, #tpu.memory_space<vmem>>) semaphore(%arg19 : memref<!tpu.dma_semaphore, #tpu.memory_space<semaphore_mem>>)
    %scan3A = arith.constant 0 : i32
    %scan3A_6 = arith.constant 0 : i32
    %scan3A_7 = arith.constant 40 : i32
    %scan3A_8 = arith.addi %scan3A_6, %scan3A_7 : i32
    %scan3A_9 = arith.constant 1 : i32
    scf.for %scan3A_22 = %scan3A_6 to %scan3A_8 step %scan3A_9  : i32 {
      %mul3A_23 = arith.constant 2 : i32
      %mul3A_24 = arith.muli %mul3A_23, %scan3A_22 : i32
      %add3A_25 = arith.constant 1 : i32
      %add3A_26 = arith.addi %mul3A_24, %add3A_25 : i32
      "tpu.region"() ({
        %run_scoped3A_54 = tpu.sem_alloc : memref<!tpu.dma_semaphore, #tpu.memory_space<semaphore_mem>>
        %dma_start3A_55 = arith.constant 0 : i32
        %dma_start3A_56 = tpu.memref_slice %arg3[%arg0, %arg1, %add3A_26, %dma_start3A_55] : memref<2x16x80x128xi32, #tpu.memory_space<hbm>> -> memref<1x1x1x128xi32, #tpu.memory_space<hbm>>
        %dma_start3A_57 = tpu.memref_squeeze %dma_start3A_56 : memref<1x1x1x128xi32, #tpu.memory_space<hbm>> -> memref<128xi32, #tpu.memory_space<hbm>>
        %dma_start3A_58 = arith.constant 0 : i32
        %dma_start3A_59 = tpu.memref_slice %arg3[%arg0, %arg1, %add3A_26, %dma_start3A_58] : memref<2x16x80x128xi32, #tpu.memory_space<hbm>> -> memref<1x1x1x128xi32, #tpu.memory_space<hbm>>
        %dma_start3A_60 = tpu.memref_squeeze %dma_start3A_59 : memref<1x1x1x128xi32, #tpu.memory_space<hbm>> -> memref<128xi32, #tpu.memory_space<hbm>>
        tpu.enqueue_dma source(%dma_start3A_60 : memref<128xi32, #tpu.memory_space<hbm>>) target(%arg11 : memref<128xi32, #tpu.memory_space<vmem>>) target_semaphore(%run_scoped3A_54 : memref<!tpu.dma_semaphore, #tpu.memory_space<semaphore_mem>>)
        %dma_wait3A_61 = arith.constant 0 : i32
        %dma_wait3A_62 = tpu.memref_slice %arg3[%arg0, %arg1, %add3A_26, %dma_wait3A_61] : memref<2x16x80x128xi32, #tpu.memory_space<hbm>> -> memref<1x1x1x128xi32, #tpu.memory_space<hbm>>
        %dma_wait3A_63 = tpu.memref_squeeze %dma_wait3A_62 : memref<1x1x1x128xi32, #tpu.memory_space<hbm>> -> memref<128xi32, #tpu.memory_space<hbm>>
        %dma_wait3A_64 = arith.constant 0 : i32
        %dma_wait3A_65 = tpu.memref_slice %arg3[%arg0, %arg1, %add3A_26, %dma_wait3A_64] : memref<2x16x80x128xi32, #tpu.memory_space<hbm>> -> memref<1x1x1x128xi32, #tpu.memory_space<hbm>>
        %dma_wait3A_66 = tpu.memref_squeeze %dma_wait3A_65 : memref<1x1x1x128xi32, #tpu.memory_space<hbm>> -> memref<128xi32, #tpu.memory_space<hbm>>
        tpu.wait_dma2 semaphore(%run_scoped3A_54 : memref<!tpu.dma_semaphore, #tpu.memory_space<semaphore_mem>>) src(%dma_wait3A_66 : memref<128xi32, #tpu.memory_space<hbm>>) dst(%arg11 : memref<128xi32, #tpu.memory_space<vmem>>)
        tpu.yield
      }) : () -> ()
      "tpu.region"() ({
        %run_scoped3A_54 = tpu.sem_alloc : memref<!tpu.dma_semaphore, #tpu.memory_space<semaphore_mem>>
        %dma_start3A_55 = arith.constant 0 : i32
        %dma_start3A_56 = tpu.memref_slice %arg4[%arg1, %add3A_26, %dma_start3A_55] : memref<16x80x128xi32, #tpu.memory_space<hbm>> -> memref<1x1x128xi32, #tpu.memory_space<hbm>>
        %dma_start3A_57 = tpu.memref_squeeze %dma_start3A_56 : memref<1x1x128xi32, #tpu.memory_space<hbm>> -> memref<128xi32, #tpu.memory_space<hbm>>
        %dma_start3A_58 = arith.constant 0 : i32
        %dma_start3A_59 = tpu.memref_slice %arg4[%arg1, %add3A_26, %dma_start3A_58] : memref<16x80x128xi32, #tpu.memory_space<hbm>> -> memref<1x1x128xi32, #tpu.memory_space<hbm>>
        %dma_start3A_60 = tpu.memref_squeeze %dma_start3A_59 : memref<1x1x128xi32, #tpu.memory_space<hbm>> -> memref<128xi32, #tpu.memory_space<hbm>>
        tpu.enqueue_dma source(%dma_start3A_60 : memref<128xi32, #tpu.memory_space<hbm>>) target(%arg13 : memref<128xi32, #tpu.memory_space<vmem>>) target_semaphore(%run_scoped3A_54 : memref<!tpu.dma_semaphore, #tpu.memory_space<semaphore_mem>>)
        %dma_wait3A_61 = arith.constant 0 : i32
        %dma_wait3A_62 = tpu.memref_slice %arg4[%arg1, %add3A_26, %dma_wait3A_61] : memref<16x80x128xi32, #tpu.memory_space<hbm>> -> memref<1x1x128xi32, #tpu.memory_space<hbm>>
        %dma_wait3A_63 = tpu.memref_squeeze %dma_wait3A_62 : memref<1x1x128xi32, #tpu.memory_space<hbm>> -> memref<128xi32, #tpu.memory_space<hbm>>
        %dma_wait3A_64 = arith.constant 0 : i32
        %dma_wait3A_65 = tpu.memref_slice %arg4[%arg1, %add3A_26, %dma_wait3A_64] : memref<16x80x128xi32, #tpu.memory_space<hbm>> -> memref<1x1x128xi32, #tpu.memory_space<hbm>>
        %dma_wait3A_66 = tpu.memref_squeeze %dma_wait3A_65 : memref<1x1x128xi32, #tpu.memory_space<hbm>> -> memref<128xi32, #tpu.memory_space<hbm>>
        tpu.wait_dma2 semaphore(%run_scoped3A_54 : memref<!tpu.dma_semaphore, #tpu.memory_space<semaphore_mem>>) src(%dma_wait3A_66 : memref<128xi32, #tpu.memory_space<hbm>>) dst(%arg13 : memref<128xi32, #tpu.memory_space<vmem>>)
        tpu.yield
      }) : () -> ()
      %dma_start3A_27 = arith.constant 0 : i32
      %dma_start3A_28 = arith.constant 0 : i32
      %dma_start3A_29 = tpu.memref_slice %arg2[%dma_start3A_27, %dma_start3A_28] : memref<20000x128xf32, #tpu.memory_space<hbm>> -> memref<20000x128xf32, #tpu.memory_space<hbm>>
      tpu.enqueue_indirect_dma source(%dma_start3A_29 : memref<20000x128xf32, #tpu.memory_space<hbm>>) target(%arg15 : memref<128x128xf32, #tpu.memory_space<vmem>>) offsets(%arg11 : memref<128xi32, #tpu.memory_space<vmem>>) semaphore(%arg20 : memref<!tpu.dma_semaphore, #tpu.memory_space<semaphore_mem>>)
      %eq3A = arith.constant 0 : i32
      %eq3A_30 = arith.cmpi eq, %arg0, %eq3A : i32
      %convert_element_type3A = arith.extui %eq3A_30 : i1 to i32
      %cond3A = arith.constant 0 : i32
      %cond3A_31 = arith.cmpi ne, %convert_element_type3A, %cond3A : i32
      scf.if %cond3A_31 {
        "tpu.region"() ({
          %run_scoped3A_54 = tpu.sem_alloc : memref<!tpu.dma_semaphore, #tpu.memory_space<semaphore_mem>>
          %dma_start3A_55 = arith.constant 0 : i32
          %dma_start3A_56 = tpu.memref_slice %arg18[%dma_start3A_55] : memref<10240xf32, #tpu.memory_space<vmem_shared>> -> memref<10240xf32, #tpu.memory_space<vmem_shared>>
          tpu.enqueue_indirect_dma source(%arg16 : memref<128xf32, #tpu.memory_space<vmem>>) target(%dma_start3A_56 : memref<10240xf32, #tpu.memory_space<vmem_shared>>) offsets(%arg12 : memref<128xi32, #tpu.memory_space<vmem>>) semaphore(%run_scoped3A_54 : memref<!tpu.dma_semaphore, #tpu.memory_space<semaphore_mem>>) {add = true}
          %dma_wait3A_57 = arith.constant 0 : i32
          %dma_wait3A_58 = tpu.memref_slice %arg18[%dma_wait3A_57] : memref<10240xf32, #tpu.memory_space<vmem_shared>> -> memref<10240xf32, #tpu.memory_space<vmem_shared>>
          tpu.wait_indirect_dma semaphore(%run_scoped3A_54 : memref<!tpu.dma_semaphore, #tpu.memory_space<semaphore_mem>>) src(%arg16 : memref<128xf32, #tpu.memory_space<vmem>>) dst(%dma_wait3A_58 : memref<10240xf32, #tpu.memory_space<vmem_shared>>)
          tpu.yield
        }) : () -> ()
      } else {
      }
      %dma_wait3A = arith.constant 0 : i32
      %dma_wait3A_32 = arith.constant 0 : i32
      %dma_wait3A_33 = tpu.memref_slice %arg2[%dma_wait3A, %dma_wait3A_32] : memref<20000x128xf32, #tpu.memory_space<hbm>> -> memref<128x128xf32, #tpu.memory_space<hbm>>
      %dma_wait3A_34 = arith.constant 0 : i32
      %dma_wait3A_35 = arith.constant 0 : i32
      %dma_wait3A_36 = tpu.memref_slice %arg2[%dma_wait3A_34, %dma_wait3A_35] : memref<20000x128xf32, #tpu.memory_space<hbm>> -> memref<128x128xf32, #tpu.memory_space<hbm>>
      tpu.wait_dma2 semaphore(%arg19 : memref<!tpu.dma_semaphore, #tpu.memory_space<semaphore_mem>>) src(%dma_wait3A_36 : memref<128x128xf32, #tpu.memory_space<hbm>>) dst(%arg14 : memref<128x128xf32, #tpu.memory_space<vmem>>)
      "tpu.region"() ({
        %run_scoped3A_54 = tpu.sem_alloc : memref<!tpu.dma_semaphore, #tpu.memory_space<semaphore_mem>>
        %dma_start3A_55 = arith.constant 0 : i32
        %dma_start3A_56 = arith.constant 0 : i32
        %dma_start3A_57 = tpu.memref_slice %arg17[%dma_start3A_55, %dma_start3A_56] : memref<10112x128xf32, #tpu.memory_space<vmem_shared>> -> memref<10112x128xf32, #tpu.memory_space<vmem_shared>>
        tpu.enqueue_indirect_dma source(%arg14 : memref<128x128xf32, #tpu.memory_space<vmem>>) target(%dma_start3A_57 : memref<10112x128xf32, #tpu.memory_space<vmem_shared>>) offsets(%arg12 : memref<128xi32, #tpu.memory_space<vmem>>) semaphore(%run_scoped3A_54 : memref<!tpu.dma_semaphore, #tpu.memory_space<semaphore_mem>>) {add = true}
        %dma_wait3A_58 = arith.constant 0 : i32
        %dma_wait3A_59 = arith.constant 0 : i32
        %dma_wait3A_60 = tpu.memref_slice %arg17[%dma_wait3A_58, %dma_wait3A_59] : memref<10112x128xf32, #tpu.memory_space<vmem_shared>> -> memref<10112x128xf32, #tpu.memory_space<vmem_shared>>
        tpu.wait_indirect_dma semaphore(%run_scoped3A_54 : memref<!tpu.dma_semaphore, #tpu.memory_space<semaphore_mem>>) src(%arg14 : memref<128x128xf32, #tpu.memory_space<vmem>>) dst(%dma_wait3A_60 : memref<10112x128xf32, #tpu.memory_space<vmem_shared>>)
        tpu.yield
      }) : () -> ()
      %add3A_37 = arith.constant 2 : i32
      %add3A_38 = arith.addi %mul3A_24, %add3A_37 : i32
      %lt3A = arith.constant 80 : i32
      %lt3A_39 = arith.cmpi slt, %add3A_38, %lt3A : i32
      %convert_element_type3A_40 = arith.extui %lt3A_39 : i1 to i32
      %cond3A_41 = arith.constant 0 : i32
      %cond3A_42 = arith.cmpi ne, %convert_element_type3A_40, %cond3A_41 : i32
      scf.if %cond3A_42 {
        %add3A_54 = arith.constant 2 : i32
        %add3A_55 = arith.addi %mul3A_24, %add3A_54 : i32
        "tpu.region"() ({
          %run_scoped3A_61 = tpu.sem_alloc : memref<!tpu.dma_semaphore, #tpu.memory_space<semaphore_mem>>
          %dma_start3A_62 = arith.constant 0 : i32
          %dma_start3A_63 = tpu.memref_slice %arg3[%arg0, %arg1, %add3A_55, %dma_start3A_62] : memref<2x16x80x128xi32, #tpu.memory_space<hbm>> -> memref<1x1x1x128xi32, #tpu.memory_space<hbm>>
          %dma_start3A_64 = tpu.memref_squeeze %dma_start3A_63 : memref<1x1x1x128xi32, #tpu.memory_space<hbm>> -> memref<128xi32, #tpu.memory_space<hbm>>
          %dma_start3A_65 = arith.constant 0 : i32
          %dma_start3A_66 = tpu.memref_slice %arg3[%arg0, %arg1, %add3A_55, %dma_start3A_65] : memref<2x16x80x128xi32, #tpu.memory_space<hbm>> -> memref<1x1x1x128xi32, #tpu.memory_space<hbm>>
          %dma_start3A_67 = tpu.memref_squeeze %dma_start3A_66 : memref<1x1x1x128xi32, #tpu.memory_space<hbm>> -> memref<128xi32, #tpu.memory_space<hbm>>
          tpu.enqueue_dma source(%dma_start3A_67 : memref<128xi32, #tpu.memory_space<hbm>>) target(%arg10 : memref<128xi32, #tpu.memory_space<vmem>>) target_semaphore(%run_scoped3A_61 : memref<!tpu.dma_semaphore, #tpu.memory_space<semaphore_mem>>)
          %dma_wait3A_68 = arith.constant 0 : i32
          %dma_wait3A_69 = tpu.memref_slice %arg3[%arg0, %arg1, %add3A_55, %dma_wait3A_68] : memref<2x16x80x128xi32, #tpu.memory_space<hbm>> -> memref<1x1x1x128xi32, #tpu.memory_space<hbm>>
          %dma_wait3A_70 = tpu.memref_squeeze %dma_wait3A_69 : memref<1x1x1x128xi32, #tpu.memory_space<hbm>> -> memref<128xi32, #tpu.memory_space<hbm>>
          %dma_wait3A_71 = arith.constant 0 : i32
          %dma_wait3A_72 = tpu.memref_slice %arg3[%arg0, %arg1, %add3A_55, %dma_wait3A_71] : memref<2x16x80x128xi32, #tpu.memory_space<hbm>> -> memref<1x1x1x128xi32, #tpu.memory_space<hbm>>
          %dma_wait3A_73 = tpu.memref_squeeze %dma_wait3A_72 : memref<1x1x1x128xi32, #tpu.memory_space<hbm>> -> memref<128xi32, #tpu.memory_space<hbm>>
          tpu.wait_dma2 semaphore(%run_scoped3A_61 : memref<!tpu.dma_semaphore, #tpu.memory_space<semaphore_mem>>) src(%dma_wait3A_73 : memref<128xi32, #tpu.memory_space<hbm>>) dst(%arg10 : memref<128xi32, #tpu.memory_space<vmem>>)
          tpu.yield
        }) : () -> ()
        %add3A_56 = arith.constant 2 : i32
        %add3A_57 = arith.addi %mul3A_24, %add3A_56 : i32
        "tpu.region"() ({
          %run_scoped3A_61 = tpu.sem_alloc : memref<!tpu.dma_semaphore, #tpu.memory_space<semaphore_mem>>
          %dma_start3A_62 = arith.constant 0 : i32
          %dma_start3A_63 = tpu.memref_slice %arg4[%arg1, %add3A_57, %dma_start3A_62] : memref<16x80x128xi32, #tpu.memory_space<hbm>> -> memref<1x1x128xi32, #tpu.memory_space<hbm>>
          %dma_start3A_64 = tpu.memref_squeeze %dma_start3A_63 : memref<1x1x128xi32, #tpu.memory_space<hbm>> -> memref<128xi32, #tpu.memory_space<hbm>>
          %dma_start3A_65 = arith.constant 0 : i32
          %dma_start3A_66 = tpu.memref_slice %arg4[%arg1, %add3A_57, %dma_start3A_65] : memref<16x80x128xi32, #tpu.memory_space<hbm>> -> memref<1x1x128xi32, #tpu.memory_space<hbm>>
          %dma_start3A_67 = tpu.memref_squeeze %dma_start3A_66 : memref<1x1x128xi32, #tpu.memory_space<hbm>> -> memref<128xi32, #tpu.memory_space<hbm>>
          tpu.enqueue_dma source(%dma_start3A_67 : memref<128xi32, #tpu.memory_space<hbm>>) target(%arg12 : memref<128xi32, #tpu.memory_space<vmem>>) target_semaphore(%run_scoped3A_61 : memref<!tpu.dma_semaphore, #tpu.memory_space<semaphore_mem>>)
          %dma_wait3A_68 = arith.constant 0 : i32
          %dma_wait3A_69 = tpu.memref_slice %arg4[%arg1, %add3A_57, %dma_wait3A_68] : memref<16x80x128xi32, #tpu.memory_space<hbm>> -> memref<1x1x128xi32, #tpu.memory_space<hbm>>
          %dma_wait3A_70 = tpu.memref_squeeze %dma_wait3A_69 : memref<1x1x128xi32, #tpu.memory_space<hbm>> -> memref<128xi32, #tpu.memory_space<hbm>>
          %dma_wait3A_71 = arith.constant 0 : i32
          %dma_wait3A_72 = tpu.memref_slice %arg4[%arg1, %add3A_57, %dma_wait3A_71] : memref<16x80x128xi32, #tpu.memory_space<hbm>> -> memref<1x1x128xi32, #tpu.memory_space<hbm>>
          %dma_wait3A_73 = tpu.memref_squeeze %dma_wait3A_72 : memref<1x1x128xi32, #tpu.memory_space<hbm>> -> memref<128xi32, #tpu.memory_space<hbm>>
          tpu.wait_dma2 semaphore(%run_scoped3A_61 : memref<!tpu.dma_semaphore, #tpu.memory_space<semaphore_mem>>) src(%dma_wait3A_73 : memref<128xi32, #tpu.memory_space<hbm>>) dst(%arg12 : memref<128xi32, #tpu.memory_space<vmem>>)
          tpu.yield
        }) : () -> ()
        %dma_start3A_58 = arith.constant 0 : i32
        %dma_start3A_59 = arith.constant 0 : i32
        %dma_start3A_60 = tpu.memref_slice %arg2[%dma_start3A_58, %dma_start3A_59] : memref<20000x128xf32, #tpu.memory_space<hbm>> -> memref<20000x128xf32, #tpu.memory_space<hbm>>
        tpu.enqueue_indirect_dma source(%dma_start3A_60 : memref<20000x128xf32, #tpu.memory_space<hbm>>) target(%arg14 : memref<128x128xf32, #tpu.memory_space<vmem>>) offsets(%arg10 : memref<128xi32, #tpu.memory_space<vmem>>) semaphore(%arg19 : memref<!tpu.dma_semaphore, #tpu.memory_space<semaphore_mem>>)
      } else {
      }
      %eq3A_43 = arith.constant 1 : i32
      %eq3A_44 = arith.cmpi eq, %arg0, %eq3A_43 : i32
      %convert_element_type3A_45 = arith.extui %eq3A_44 : i1 to i32
      %cond3A_46 = arith.constant 0 : i32
      %cond3A_47 = arith.cmpi ne, %convert_element_type3A_45, %cond3A_46 : i32
      scf.if %cond3A_47 {
        "tpu.region"() ({
          %run_scoped3A_54 = tpu.sem_alloc : memref<!tpu.dma_semaphore, #tpu.memory_space<semaphore_mem>>
          %dma_start3A_55 = arith.constant 0 : i32
          %dma_start3A_56 = tpu.memref_slice %arg18[%dma_start3A_55] : memref<10240xf32, #tpu.memory_space<vmem_shared>> -> memref<10240xf32, #tpu.memory_space<vmem_shared>>
          tpu.enqueue_indirect_dma source(%arg16 : memref<128xf32, #tpu.memory_space<vmem>>) target(%dma_start3A_56 : memref<10240xf32, #tpu.memory_space<vmem_shared>>) offsets(%arg13 : memref<128xi32, #tpu.memory_space<vmem>>) semaphore(%run_scoped3A_54 : memref<!tpu.dma_semaphore, #tpu.memory_space<semaphore_mem>>) {add = true}
          %dma_wait3A_57 = arith.constant 0 : i32
          %dma_wait3A_58 = tpu.memref_slice %arg18[%dma_wait3A_57] : memref<10240xf32, #tpu.memory_space<vmem_shared>> -> memref<10240xf32, #tpu.memory_space<vmem_shared>>
          tpu.wait_indirect_dma semaphore(%run_scoped3A_54 : memref<!tpu.dma_semaphore, #tpu.memory_space<semaphore_mem>>) src(%arg16 : memref<128xf32, #tpu.memory_space<vmem>>) dst(%dma_wait3A_58 : memref<10240xf32, #tpu.memory_space<vmem_shared>>)
          tpu.yield
        }) : () -> ()
      } else {
      }
      %dma_wait3A_48 = arith.constant 0 : i32
      %dma_wait3A_49 = arith.constant 0 : i32
      %dma_wait3A_50 = tpu.memref_slice %arg2[%dma_wait3A_48, %dma_wait3A_49] : memref<20000x128xf32, #tpu.memory_space<hbm>> -> memref<128x128xf32, #tpu.memory_space<hbm>>
      %dma_wait3A_51 = arith.constant 0 : i32
      %dma_wait3A_52 = arith.constant 0 : i32
      %dma_wait3A_53 = tpu.memref_slice %arg2[%dma_wait3A_51, %dma_wait3A_52] : memref<20000x128xf32, #tpu.memory_space<hbm>> -> memref<128x128xf32, #tpu.memory_space<hbm>>
      tpu.wait_dma2 semaphore(%arg20 : memref<!tpu.dma_semaphore, #tpu.memory_space<semaphore_mem>>) src(%dma_wait3A_53 : memref<128x128xf32, #tpu.memory_space<hbm>>) dst(%arg15 : memref<128x128xf32, #tpu.memory_space<vmem>>)
      "tpu.region"() ({
        %run_scoped3A_54 = tpu.sem_alloc : memref<!tpu.dma_semaphore, #tpu.memory_space<semaphore_mem>>
        %dma_start3A_55 = arith.constant 0 : i32
        %dma_start3A_56 = arith.constant 0 : i32
        %dma_start3A_57 = tpu.memref_slice %arg17[%dma_start3A_55, %dma_start3A_56] : memref<10112x128xf32, #tpu.memory_space<vmem_shared>> -> memref<10112x128xf32, #tpu.memory_space<vmem_shared>>
        tpu.enqueue_indirect_dma source(%arg15 : memref<128x128xf32, #tpu.memory_space<vmem>>) target(%dma_start3A_57 : memref<10112x128xf32, #tpu.memory_space<vmem_shared>>) offsets(%arg13 : memref<128xi32, #tpu.memory_space<vmem>>) semaphore(%run_scoped3A_54 : memref<!tpu.dma_semaphore, #tpu.memory_space<semaphore_mem>>) {add = true}
        %dma_wait3A_58 = arith.constant 0 : i32
        %dma_wait3A_59 = arith.constant 0 : i32
        %dma_wait3A_60 = tpu.memref_slice %arg17[%dma_wait3A_58, %dma_wait3A_59] : memref<10112x128xf32, #tpu.memory_space<vmem_shared>> -> memref<10112x128xf32, #tpu.memory_space<vmem_shared>>
        tpu.wait_indirect_dma semaphore(%run_scoped3A_54 : memref<!tpu.dma_semaphore, #tpu.memory_space<semaphore_mem>>) src(%arg15 : memref<128x128xf32, #tpu.memory_space<vmem>>) dst(%dma_wait3A_60 : memref<10112x128xf32, #tpu.memory_space<vmem_shared>>)
        tpu.yield
      }) : () -> ()
    }
    %scan3A_10 = arith.constant 40 : i32
    %barrier3A_11 = arith.constant 0 : index
    tpu.barrier barrier_id(%barrier3A_11)
    %mul3A_12 = arith.constant 632 : i32
    %mul3A_13 = arith.muli %arg1, %mul3A_12 : i32
    %mul3A_14 = arith.constant 632 : i32
    %mul3A_15 = arith.muli %arg1, %mul3A_14 : i32
    "tpu.region"() ({
      %run_scoped3A_22 = tpu.sem_alloc : memref<!tpu.dma_semaphore, #tpu.memory_space<semaphore_mem>>
      %dma_start3A_23 = arith.constant 0 : i32
      %dma_start3A_24 = tpu.memref_slice %arg8[%arg0, %mul3A_15, %dma_start3A_23] : memref<2x10112x128xf32, #tpu.memory_space<hbm>> -> memref<1x632x128xf32, #tpu.memory_space<hbm>>
      %dma_start3A_25 = tpu.memref_squeeze %dma_start3A_24 : memref<1x632x128xf32, #tpu.memory_space<hbm>> -> memref<632x128xf32, #tpu.memory_space<hbm>>
      %dma_start3A_26 = arith.constant 0 : i32
      %dma_start3A_27 = tpu.memref_slice %arg17[%mul3A_13, %dma_start3A_26] : memref<10112x128xf32, #tpu.memory_space<vmem_shared>> -> memref<632x128xf32, #tpu.memory_space<vmem_shared>>
      tpu.enqueue_dma source(%dma_start3A_27 : memref<632x128xf32, #tpu.memory_space<vmem_shared>>) target(%dma_start3A_25 : memref<632x128xf32, #tpu.memory_space<hbm>>) target_semaphore(%run_scoped3A_22 : memref<!tpu.dma_semaphore, #tpu.memory_space<semaphore_mem>>)
      %dma_wait3A = arith.constant 0 : i32
      %dma_wait3A_28 = tpu.memref_slice %arg8[%arg0, %mul3A_15, %dma_wait3A] : memref<2x10112x128xf32, #tpu.memory_space<hbm>> -> memref<1x632x128xf32, #tpu.memory_space<hbm>>
      %dma_wait3A_29 = tpu.memref_squeeze %dma_wait3A_28 : memref<1x632x128xf32, #tpu.memory_space<hbm>> -> memref<632x128xf32, #tpu.memory_space<hbm>>
      %dma_wait3A_30 = arith.constant 0 : i32
      %dma_wait3A_31 = tpu.memref_slice %arg17[%mul3A_13, %dma_wait3A_30] : memref<10112x128xf32, #tpu.memory_space<vmem_shared>> -> memref<632x128xf32, #tpu.memory_space<vmem_shared>>
      tpu.wait_dma2 semaphore(%run_scoped3A_22 : memref<!tpu.dma_semaphore, #tpu.memory_space<semaphore_mem>>) src(%dma_wait3A_31 : memref<632x128xf32, #tpu.memory_space<vmem_shared>>) dst(%dma_wait3A_29 : memref<632x128xf32, #tpu.memory_space<hbm>>)
      tpu.yield
    }) : () -> ()
    %mul3A_16 = arith.constant 640 : i32
    %mul3A_17 = arith.muli %arg1, %mul3A_16 : i32
    %mul3A_18 = arith.constant 10240 : i32
    %mul3A_19 = arith.muli %arg0, %mul3A_18 : i32
    %mul3A_20 = arith.constant 640 : i32
    %mul3A_21 = arith.muli %arg1, %mul3A_20 : i32
    %add3A = arith.addi %mul3A_19, %mul3A_21 : i32
    "tpu.region"() ({
      %run_scoped3A_22 = tpu.sem_alloc : memref<!tpu.dma_semaphore, #tpu.memory_space<semaphore_mem>>
      %dma_start3A_23 = tpu.memref_slice %arg9[%add3A] : memref<20480xf32, #tpu.memory_space<hbm>> -> memref<640xf32, #tpu.memory_space<hbm>>
      %dma_start3A_24 = tpu.memref_slice %arg18[%mul3A_17] : memref<10240xf32, #tpu.memory_space<vmem_shared>> -> memref<640xf32, #tpu.memory_space<vmem_shared>>
      tpu.enqueue_dma source(%dma_start3A_24 : memref<640xf32, #tpu.memory_space<vmem_shared>>) target(%dma_start3A_23 : memref<640xf32, #tpu.memory_space<hbm>>) target_semaphore(%run_scoped3A_22 : memref<!tpu.dma_semaphore, #tpu.memory_space<semaphore_mem>>)
      %dma_wait3A = tpu.memref_slice %arg9[%add3A] : memref<20480xf32, #tpu.memory_space<hbm>> -> memref<640xf32, #tpu.memory_space<hbm>>
      %dma_wait3A_25 = tpu.memref_slice %arg18[%mul3A_17] : memref<10240xf32, #tpu.memory_space<vmem_shared>> -> memref<640xf32, #tpu.memory_space<vmem_shared>>
      tpu.wait_dma2 semaphore(%run_scoped3A_22 : memref<!tpu.dma_semaphore, #tpu.memory_space<semaphore_mem>>) src(%dma_wait3A_25 : memref<640xf32, #tpu.memory_space<vmem_shared>>) dst(%dma_wait3A : memref<640xf32, #tpu.memory_space<hbm>>)
      tpu.yield
    }) : () -> ()
    return
  }
}

module attributes {stable_mosaic.version = 14 : i64} {
  func.func @body(%arg0: memref<128x256xf32, #tpu.memory_space<vmem>>, %arg1: memref<256x256xf32, #tpu.memory_space<vmem>>, %arg2: memref<128x256xf32, #tpu.memory_space<vmem>>) attributes {dimension_semantics = [], scalar_prefetch = 0 : i64, scratch_operands = 0 : i64, tpu.core_type = #tpu.core_type<tc>} {
    %get3A = arith.constant 0 : index
    %get3A_0 = arith.constant 0 : index
    %get3A_1 = vector.load %arg0[%get3A, %get3A_0] : memref<128x256xf32, #tpu.memory_space<vmem>>, vector<128x256xf32>
    %get3A_2 = arith.constant 0 : index
    %get3A_3 = arith.constant 0 : index
    %get3A_4 = vector.load %arg1[%get3A_2, %get3A_3] : memref<256x256xf32, #tpu.memory_space<vmem>>, vector<256x256xf32>
    %dot_general3A = arith.constant dense<0.000000e+00> : vector<128x256xf32>
    %dot_general3A_5 = tpu.matmul %get3A_1, %get3A_4, %dot_general3A {dimension_numbers = #tpu.dot_dimension_numbers<[1], [0], [0], [1], [0, 0, 1, 1], [], []>, precision = #tpu.contract_precision<fp32>, transpose_lhs_hint = false} : vector<128x256xf32>, vector<256x256xf32>, vector<128x256xf32> -> vector<128x256xf32>
    %swap3A = arith.constant 0 : index
    %swap3A_6 = arith.constant 0 : index
    %swap3A_7 = vector.load %arg2[%swap3A, %swap3A_6] : memref<128x256xf32, #tpu.memory_space<vmem>>, vector<128x256xf32>
    tpu.vector_store %arg2[%swap3A, %swap3A_6], %dot_general3A_5 {strides = array<i32>} : memref<128x256xf32, #tpu.memory_space<vmem>>, vector<128x256xf32>,
    return
  }
}

module attributes {stable_mosaic.version = 14 : i64} {
  func.func @body(%arg0: i32, %arg1: memref<2x1024x128xf32, #tpu.memory_space<vmem>>, %arg2: memref<2x1024xf32, #tpu.memory_space<vmem>>, %arg3: memref<1024x256xf32, #tpu.memory_space<vmem>>) attributes {dimension_semantics = [#tpu.dimension_semantics<arbitrary>], iteration_bounds = array<i64: 10>, scalar_prefetch = 0 : i64, scratch_operands = 0 : i64, tpu.core_type = #tpu.core_type<tc>, window_params = [{transform_indices = @transform_0, window_bounds = array<i64: 2, 1024, 128>}, {transform_indices = @transform_1, window_bounds = array<i64: 2, 1024>}, {transform_indices = @transform_2, window_bounds = array<i64: 1024, 256>}]} {
    %get3A = arith.constant 0 : index
    %get3A_0 = arith.constant 0 : index
    %get3A_1 = vector.load %arg2[%get3A, %get3A_0] : memref<2x1024xf32, #tpu.memory_space<vmem>>, vector<1x1024xf32>
    %get3A_2 = vector.shape_cast %get3A_1 : vector<1x1024xf32> to vector<1024xf32>
    %get3A_3 = arith.constant 1 : index
    %get3A_4 = arith.constant 0 : index
    %get3A_5 = vector.load %arg2[%get3A_3, %get3A_4] : memref<2x1024xf32, #tpu.memory_space<vmem>>, vector<1x1024xf32>
    %get3A_6 = vector.shape_cast %get3A_5 : vector<1x1024xf32> to vector<1024xf32>
    %add3A = arith.addf %get3A_2, %get3A_6 : vector<1024xf32>
    %max3A = arith.constant 1.000000e+00 : f32
    %max3A_7 = vector.broadcast %max3A : f32 to vector<1024xf32>
    %max3A_8 = arith.maximumf %add3A, %max3A_7 : vector<1024xf32>
    %div3A = arith.constant 1.000000e+00 : f32
    %div3A_9 = vector.broadcast %div3A : f32 to vector<1024xf32>
    %div3A_10 = arith.divf %div3A_9, %max3A_8 : vector<1024xf32>
    %broadcast_in_dim3A = vector.shape_cast %div3A_10 : vector<1024xf32> to vector<1024x1xf32>
    %get3A_11 = arith.constant 0 : index
    %get3A_12 = arith.constant 0 : index
    %get3A_13 = arith.constant 0 : index
    %get3A_14 = vector.load %arg1[%get3A_11, %get3A_12, %get3A_13] : memref<2x1024x128xf32, #tpu.memory_space<vmem>>, vector<1x1024x128xf32>
    %get3A_15 = vector.shape_cast %get3A_14 : vector<1x1024x128xf32> to vector<1024x128xf32>
    %mul3A = vector.broadcast %broadcast_in_dim3A : vector<1024x1xf32> to vector<1024x128xf32>
    %mul3A_16 = arith.mulf %get3A_15, %mul3A : vector<1024x128xf32>
    %swap3A = arith.constant 0 : index
    %swap3A_17 = arith.constant 0 : index
    %swap3A_18 = vector.load %arg3[%swap3A, %swap3A_17] : memref<1024x256xf32, #tpu.memory_space<vmem>>, vector<1024x128xf32>
    tpu.vector_store %arg3[%swap3A, %swap3A_17], %mul3A_16 {strides = array<i32>} : memref<1024x256xf32, #tpu.memory_space<vmem>>, vector<1024x128xf32>,
    %get3A_19 = arith.constant 1 : index
    %get3A_20 = arith.constant 0 : index
    %get3A_21 = arith.constant 0 : index
    %get3A_22 = vector.load %arg1[%get3A_19, %get3A_20, %get3A_21] : memref<2x1024x128xf32, #tpu.memory_space<vmem>>, vector<1x1024x128xf32>
    %get3A_23 = vector.shape_cast %get3A_22 : vector<1x1024x128xf32> to vector<1024x128xf32>
    %mul3A_24 = vector.broadcast %broadcast_in_dim3A : vector<1024x1xf32> to vector<1024x128xf32>
    %mul3A_25 = arith.mulf %get3A_23, %mul3A_24 : vector<1024x128xf32>
    %swap3A_26 = arith.constant 0 : index
    %swap3A_27 = arith.constant 128 : index
    %swap3A_28 = vector.load %arg3[%swap3A_26, %swap3A_27] : memref<1024x256xf32, #tpu.memory_space<vmem>>, vector<1024x128xf32>
    tpu.vector_store %arg3[%swap3A_26, %swap3A_27], %mul3A_25 {strides = array<i32>} : memref<1024x256xf32, #tpu.memory_space<vmem>>, vector<1024x128xf32>,
    return
  }
  func.func @transform_0(%arg0: i32) -> (i32, i32, i32) {
    %c0_i32 = arith.constant 0 : i32
    %c0_i32_0 = arith.constant 0 : i32
    %c0_i32_1 = arith.constant 0 : i32
    return %c0_i32, %arg0, %c0_i32_0 : i32, i32, i32
  }
  func.func @transform_1(%arg0: i32) -> (i32, i32) {
    %c0_i32 = arith.constant 0 : i32
    %c0_i32_0 = arith.constant 0 : i32
    return %c0_i32, %arg0 : i32, i32
  }
  func.func @transform_2(%arg0: i32) -> (i32, i32) {
    %c0_i32 = arith.constant 0 : i32
    %c0_i32_0 = arith.constant 0 : i32
    return %arg0, %c0_i32 : i32, i32
  }
}

module attributes {stable_mosaic.version = 14 : i64} {
  func.func @body(%arg0: i32, %arg1: memref<1024x256xf32, #tpu.memory_space<vmem>>, %arg2: memref<1024xi32, #tpu.memory_space<vmem>>, %arg3: memref<1024xi32, #tpu.memory_space<vmem>>, %arg4: memref<1024xi32, #tpu.memory_space<vmem>>, %arg5: memref<128x256xf32, #tpu.memory_space<vmem>>, %arg6: memref<256x256xf32, #tpu.memory_space<vmem>>, %arg7: memref<2x1024x128xf32, #tpu.memory_space<vmem>>) attributes {dimension_semantics = [#tpu.dimension_semantics<arbitrary>], iteration_bounds = array<i64: 10>, scalar_prefetch = 0 : i64, scratch_operands = 0 : i64, tpu.core_type = #tpu.core_type<tc>, window_params = [{transform_indices = @transform_0, window_bounds = array<i64: 1024, 256>}, {transform_indices = @transform_1, window_bounds = array<i64: 1024>}, {transform_indices = @transform_2, window_bounds = array<i64: 1024>}, {transform_indices = @transform_3, window_bounds = array<i64: 1024>}, {pipeline_mode = #tpu.pipeline_mode<synchronous>, transform_indices = @transform_4, window_bounds = array<i64: 128, 256>}, {pipeline_mode = #tpu.pipeline_mode<synchronous>, transform_indices = @transform_5, window_bounds = array<i64: 256, 256>}, {transform_indices = @transform_6, window_bounds = array<i64: 2, 1024, 128>}]} {
    %get3A = arith.constant 0 : index
    %get3A_0 = arith.constant 0 : index
    %get3A_1 = vector.load %arg1[%get3A, %get3A_0] : memref<1024x256xf32, #tpu.memory_space<vmem>>, vector<1024x256xf32>
    %get3A_2 = arith.constant 0 : index
    %get3A_3 = arith.constant 0 : index
    %get3A_4 = vector.load %arg6[%get3A_2, %get3A_3] : memref<256x256xf32, #tpu.memory_space<vmem>>, vector<256x256xf32>
    %dot_general3A = arith.constant dense<0.000000e+00> : vector<1024x256xf32>
    %dot_general3A_5 = tpu.matmul %get3A_1, %get3A_4, %dot_general3A {dimension_numbers = #tpu.dot_dimension_numbers<[1], [0], [0], [1], [0, 0, 1, 1], [], []>, precision = #tpu.contract_precision<fp32>, transpose_lhs_hint = false} : vector<1024x256xf32>, vector<256x256xf32>, vector<1024x256xf32> -> vector<1024x256xf32>
    %iota3A = tpu.iota {dimensions = array<i32: 1>} : vector<1024x128xi32>
    %get3A_6 = arith.constant 0 : index
    %get3A_7 = vector.load %arg2[%get3A_6] : memref<1024xi32, #tpu.memory_space<vmem>>, vector<1024xi32>
    %broadcast_in_dim3A = vector.shape_cast %get3A_7 : vector<1024xi32> to vector<1024x1xi32>
    %eq3A = vector.broadcast %broadcast_in_dim3A : vector<1024x1xi32> to vector<1024x128xi32>
    %eq3A_8 = arith.cmpi eq, %eq3A, %iota3A : vector<1024x128xi32>
    %convert_element_type3A = arith.extui %eq3A_8 : vector<1024x128xi1> to vector<1024x128xi32>
    %convert_element_type3A_9 = arith.sitofp %convert_element_type3A : vector<1024x128xi32> to vector<1024x128xf32>
    %mul3A = arith.constant 0.00999999977 : f32
    %mul3A_10 = vector.broadcast %mul3A : f32 to vector<1024x128xf32>
    %mul3A_11 = arith.mulf %convert_element_type3A_9, %mul3A_10 : vector<1024x128xf32>
    %get3A_12 = arith.constant 0 : index
    %get3A_13 = vector.load %arg3[%get3A_12] : memref<1024xi32, #tpu.memory_space<vmem>>, vector<1024xi32>
    %broadcast_in_dim3A_14 = vector.shape_cast %get3A_13 : vector<1024xi32> to vector<1024x1xi32>
    %eq3A_15 = vector.broadcast %broadcast_in_dim3A_14 : vector<1024x1xi32> to vector<1024x128xi32>
    %eq3A_16 = arith.cmpi eq, %eq3A_15, %iota3A : vector<1024x128xi32>
    %convert_element_type3A_17 = arith.extui %eq3A_16 : vector<1024x128xi1> to vector<1024x128xi32>
    %convert_element_type3A_18 = arith.sitofp %convert_element_type3A_17 : vector<1024x128xi32> to vector<1024x128xf32>
    %mul3A_19 = arith.constant 0.00999999977 : f32
    %mul3A_20 = vector.broadcast %mul3A_19 : f32 to vector<1024x128xf32>
    %mul3A_21 = arith.mulf %convert_element_type3A_18, %mul3A_20 : vector<1024x128xf32>
    %add3A = arith.addf %mul3A_11, %mul3A_21 : vector<1024x128xf32>
    %get3A_22 = arith.constant 0 : index
    %get3A_23 = vector.load %arg4[%get3A_22] : memref<1024xi32, #tpu.memory_space<vmem>>, vector<1024xi32>
    %broadcast_in_dim3A_24 = vector.shape_cast %get3A_23 : vector<1024xi32> to vector<1024x1xi32>
    %eq3A_25 = vector.broadcast %broadcast_in_dim3A_24 : vector<1024x1xi32> to vector<1024x128xi32>
    %eq3A_26 = arith.cmpi eq, %eq3A_25, %iota3A : vector<1024x128xi32>
    %convert_element_type3A_27 = arith.extui %eq3A_26 : vector<1024x128xi1> to vector<1024x128xi32>
    %convert_element_type3A_28 = arith.sitofp %convert_element_type3A_27 : vector<1024x128xi32> to vector<1024x128xf32>
    %mul3A_29 = arith.constant 0.00999999977 : f32
    %mul3A_30 = vector.broadcast %mul3A_29 : f32 to vector<1024x128xf32>
    %mul3A_31 = arith.mulf %convert_element_type3A_28, %mul3A_30 : vector<1024x128xf32>
    %add3A_32 = arith.addf %add3A, %mul3A_31 : vector<1024x128xf32>
    %get3A_33 = arith.constant 0 : index
    %get3A_34 = arith.constant 0 : index
    %get3A_35 = vector.load %arg5[%get3A_33, %get3A_34] : memref<128x256xf32, #tpu.memory_space<vmem>>, vector<128x256xf32>
    %dot_general3A_36 = arith.constant dense<0.000000e+00> : vector<1024x256xf32>
    %dot_general3A_37 = tpu.matmul %add3A_32, %get3A_35, %dot_general3A_36 {dimension_numbers = #tpu.dot_dimension_numbers<[1], [0], [0], [1], [0, 0, 1, 1], [], []>, precision = #tpu.contract_precision<fp32>, transpose_lhs_hint = false} : vector<1024x128xf32>, vector<128x256xf32>, vector<1024x256xf32> -> vector<1024x256xf32>
    %add3A_38 = arith.addf %dot_general3A_5, %dot_general3A_37 : vector<1024x256xf32>
    %slice3A = vector.extract_strided_slice %add3A_38 {offsets = [0, 0], sizes = [1024, 128], strides = [1, 1]} : vector<1024x256xf32> to vector<1024x128xf32>
    %swap3A = arith.constant 0 : index
    %swap3A_39 = arith.constant 0 : index
    %swap3A_40 = arith.constant 0 : index
    %swap3A_41 = vector.load %arg7[%swap3A, %swap3A_39, %swap3A_40] : memref<2x1024x128xf32, #tpu.memory_space<vmem>>, vector<1x1024x128xf32>
    %swap3A_42 = vector.shape_cast %swap3A_41 : vector<1x1024x128xf32> to vector<1024x128xf32>
    %swap3A_43 = vector.shape_cast %slice3A : vector<1024x128xf32> to vector<1x1024x128xf32>
    tpu.vector_store %arg7[%swap3A, %swap3A_39, %swap3A_40], %swap3A_43 {strides = array<i32>} : memref<2x1024x128xf32, #tpu.memory_space<vmem>>, vector<1x1024x128xf32>,
    %slice3A_44 = vector.extract_strided_slice %add3A_38 {offsets = [0, 128], sizes = [1024, 128], strides = [1, 1]} : vector<1024x256xf32> to vector<1024x128xf32>
    %swap3A_45 = arith.constant 1 : index
    %swap3A_46 = arith.constant 0 : index
    %swap3A_47 = arith.constant 0 : index
    %swap3A_48 = vector.load %arg7[%swap3A_45, %swap3A_46, %swap3A_47] : memref<2x1024x128xf32, #tpu.memory_space<vmem>>, vector<1x1024x128xf32>
    %swap3A_49 = vector.shape_cast %swap3A_48 : vector<1x1024x128xf32> to vector<1024x128xf32>
    %swap3A_50 = vector.shape_cast %slice3A_44 : vector<1024x128xf32> to vector<1x1024x128xf32>
    tpu.vector_store %arg7[%swap3A_45, %swap3A_46, %swap3A_47], %swap3A_50 {strides = array<i32>} : memref<2x1024x128xf32, #tpu.memory_space<vmem>>, vector<1x1024x128xf32>,
    return
  }
  func.func @transform_0(%arg0: i32) -> (i32, i32) {
    %c0_i32 = arith.constant 0 : i32
    %c0_i32_0 = arith.constant 0 : i32
    return %arg0, %c0_i32 : i32, i32
  }
  func.func @transform_1(%arg0: i32) -> i32 {
    %c0_i32 = arith.constant 0 : i32
    return %arg0 : i32
  }
  func.func @transform_2(%arg0: i32) -> i32 {
    %c0_i32 = arith.constant 0 : i32
    return %arg0 : i32
  }
  func.func @transform_3(%arg0: i32) -> i32 {
    %c0_i32 = arith.constant 0 : i32
    return %arg0 : i32
  }
  func.func @transform_4(%arg0: i32) -> (i32, i32) {
    %c0_i32 = arith.constant 0 : i32
    %c0_i32_0 = arith.constant 0 : i32
    %c0_i32_1 = arith.constant 0 : i32
    return %c0_i32, %c0_i32_0 : i32, i32
  }
  func.func @transform_5(%arg0: i32) -> (i32, i32) {
    %c0_i32 = arith.constant 0 : i32
    %c0_i32_0 = arith.constant 0 : i32
    %c0_i32_1 = arith.constant 0 : i32
    return %c0_i32, %c0_i32_0 : i32, i32
  }
  func.func @transform_6(%arg0: i32) -> (i32, i32, i32) {
    %c0_i32 = arith.constant 0 : i32
    %c0_i32_0 = arith.constant 0 : i32
    %c0_i32_1 = arith.constant 0 : i32
    return %c0_i32, %arg0, %c0_i32_0 : i32, i32, i32
  }
}

</mosaic_0001>

<sc_bundles>
// kernel: kernel.6.cloned.1.call-start
scs
__scs_entry_jumppad:
0x0: {  	(pc) =	sbr.rel $0x88, $3  }
0x1: {  	(tag) =	ssettag $0x0;
	lr =	simm.s32 $0x1  }
0x2: {  	[smem:$0x3F9C] =	sst lr;
	_ =	strace $0xD0000000  }
0x3: {  	_ = 	snop  }
0x4: {  	_ = 	snop  }
0x5: {  	_ = 	snop  }
0x6: {  	_ = 	snop  }
0x7: {  	_ = 	snop  }
__scs_overlays_trampoline_lowered:
0x8: {  	[smem:$0x3FAB] =	sst s0  }
0x9: {  	[smem:$0x3FAC] =	sst s1  }
0xa: {  	[smem:$0x3FAD] =	sst s2  }
0xb: {  	[smem:$0x3FAE] =	sst s3  }
0xc: {  	[smem:$0x3FAF] =	sst s4  }
0xd: {  	[smem:$0x3FB0] =	sst s5  }
0xe: {  	[smem:$0x3FB1] =	sst s6  }
0xf: {  	[smem:$0x3FB2] =	sst s7  }
0x10: {  	[smem:$0x3FB3] =	sst s8  }
0x11: {  	[smem:$0x3FB4] =	sst s9;
	s0 =	simm.s32 @!p0 $0x0  }
0x12: {  	s1 =	sld [smem:$0x3F9A];
	s0 =	simm.s32 @p0 $0x1  }
0x13: {  	[smem:$0x3FB5] =	sst s0;
	s0 =	simm.s32 @!p1 $0x0  }
0x14: {  	s2 =	sld [smem:$0x3F99];
	s0 =	simm.s32 @p1 $0x1  }
0x15: {  	[smem:$0x3FB6] =	sst s0;
	s0 =	simm.s32 @!p2 $0x0  }
0x16: {  	s3 =	sld [smem:$0x3FDB];
	s0 =	simm.s32 @p2 $0x1  }
0x17: {  	s4 =	simm.s32 $0x1BF5;
	[smem:$0x3FB8] =	sst s0  }
0x18: {  	s0 =	sld [smem:$0x3F9B];
	_ =	swait.ge [sflag:s4], $0x0  }
0x19: {  	s7 =	sld [smem:$0x3F9C]  }
0x1a: {  	s8 =	sadd.s32 $0xFFFFE003, lr  }
0x1b: {  	s9 =	sadd.s32 $0xFFFFFEF7, lr;
	s5 =	simm.s32 $0xFFFFFFFF;
	p2 =	slt.u32 s8, $0xFFFFF086  }
0x1c: {  	p1 =	slt.u32 s9, $0xF7A;
	s5 =	simm.s32 @!p2 $0x0  }
0x1d: {  	s5 =	simm.s32 @p1 $0x1;
	p0 =	seq.s32 s7, s2  }
0x1e: {  	s7 =	smul.u32 @!p0 $0xF7A, s2;
	p2 =	seq.s32 @!p0 s5, $0x0  }
0x1f: {  	s9 =	smul.u32 $0xF7A, s1;
	s8 =	simm.s32 @!p0 $0x1BF5;
	p2 =	por !p2, p0  }
0x20: {  	[sflag:s8] =	ssyncset.s32 @!p0 $0xFFFFF086;
	s6 =	sadd.s32 @!p0 s3, s7;
	s7 =	simm.s32 @!p0 $0x108  }
0x21: {  	s3 =	sadd.s32 s3, s9;
	s6 =	sadd.s32 @!p0 $0x88, s6;
	s7 =	simm.s32 @p2 $0x1082  }
0x22: {  	[simem:s7], [sflag:s8] =	dma.local @!p0 [hbm:s6], $0xF7A  }
0x23: {  	s9 =	sor.u32 $0xD0000000, s2;
	s6 =	simm.s32 $0x108;
	_ =	swait.ge @!p0 [sflag:s8], $0x0  }
0x24: {  	s3 =	sadd.s32 $0x88, s3;
	s6 =	simm.s32 @!p1 $0x1082;
	[sflag:s4] =	ssyncset.s32 $0xFFFFF086  }
0x25: {  	[simem:s6], [sflag:s4] =	dma.local [hbm:s3], $0xF7A  }
0x26: {  	[smem:$0x3F9C] =	sst s1;
	(tag) =	ssettag s2;
	_ =	strace s9  }
0x27: {  	s1 =	sld [smem:$0x3FAC]  }
0x28: {  	s2 =	sld [smem:$0x3FAD]  }
0x29: {  	s4 =	sld [smem:$0x3FAF]  }
0x2a: {  	p0 =	seq.s32 s5, $0x0;
	s5 =	sld [smem:$0x3FB0]  }
0x2b: {  	s6 =	sld [smem:$0x3FB1]  }
0x2c: {  	s7 =	sld [smem:$0x3FB2]  }
0x2d: {  	s3 =	simm.s32 $0x108;
	s8 =	sld [smem:$0x3FB3]  }
0x2e: {  	s3 =	simm.s32 @!p0 $0x1082;
	s9 =	sld [smem:$0x3FB4]  }
0x2f: {  	lr =	sadd.s32 s0, s3;
	s0 =	sld [smem:$0x3FAB]  }
0x30: {  	s3 =	sld [smem:$0x3FAE]  }
0x31: {  	[smem:$0x3FB7] =	sst s10  }
0x32: {  	s10 =	sld [smem:$0x3FB5];
	_ =	sdelay $0x3  }
0x33: {  	p0 =	seq.s32 s10, $0x1;
	s10 =	sld [smem:$0x3FB7];
	_ =	sdelay $0x3  }
0x34: {  	[smem:$0x3FB7] =	sst s10  }
0x35: {  	s10 =	sld [smem:$0x3FB6];
	_ =	sdelay $0x3  }
0x36: {  	p1 =	seq.s32 s10, $0x1;
	s10 =	sld [smem:$0x3FB7];
	_ =	sdelay $0x3  }
0x37: {  	[smem:$0x3FB7] =	sst s10  }
0x38: {  	s10 =	sld [smem:$0x3FB8]  }
0x39: {  	_ = 	snop;
	(pc) =	sbr.ind lr, $3  }
0x3a: {  	_ = 	snop  }
0x3b: {  	_ = 	snop  }
0x3c: {  	p2 =	seq.s32 s10, $0x1;
	s10 =	sld [smem:$0x3FB7]  }
0x3d: {  	_ =	shalt  }
0x3e: {  	_ =	shalt  }
0x3f: {  	_ =	shalt  }
0x40: {  	_ =	shalt  }
0x41: {  	_ =	shalt  }
0x42: {  	_ =	shalt  }
0x43: {  	_ =	shalt  }
0x44: {  	_ =	shalt  }
0x45: {  	_ =	shalt  }
0x46: {  	_ =	shalt  }
0x47: {  	_ =	shalt  }
0x48: {  	_ =	shalt  }
0x49: {  	_ =	shalt  }
0x4a: {  	_ =	shalt  }
0x4b: {  	_ =	shalt  }
0x4c: {  	_ =	shalt  }
0x4d: {  	_ =	shalt  }
0x4e: {  	_ =	shalt  }
0x4f: {  	_ =	shalt  }
0x50: {  	_ =	shalt  }
0x51: {  	_ =	shalt  }
0x52: {  	_ =	shalt  }
0x53: {  	_ =	shalt  }
0x54: {  	_ =	shalt  }
0x55: {  	_ =	shalt  }
0x56: {  	_ =	shalt  }
0x57: {  	_ =	shalt  }
0x58: {  	_ =	shalt  }
0x59: {  	_ =	shalt  }
0x5a: {  	_ =	shalt  }
0x5b: {  	_ =	shalt  }
0x5c: {  	_ =	shalt  }
0x5d: {  	_ =	shalt  }
0x5e: {  	_ =	shalt  }
0x5f: {  	_ =	shalt  }
0x60: {  	_ =	shalt  }
0x61: {  	_ =	shalt  }
0x62: {  	_ =	shalt  }
0x63: {  	_ =	shalt  }
0x64: {  	_ =	shalt  }
0x65: {  	_ =	shalt  }
0x66: {  	_ =	shalt  }
0x67: {  	_ =	shalt  }
0x68: {  	_ =	shalt  }
0x69: {  	_ =	shalt  }
0x6a: {  	_ =	shalt  }
0x6b: {  	_ =	shalt  }
0x6c: {  	_ =	shalt  }
0x6d: {  	_ =	shalt  }
0x6e: {  	_ =	shalt  }
0x6f: {  	_ =	shalt  }
0x70: {  	_ =	shalt  }
0x71: {  	_ =	shalt  }
0x72: {  	_ =	shalt  }
0x73: {  	_ =	shalt  }
0x74: {  	_ =	shalt  }
0x75: {  	_ =	shalt  }
0x76: {  	_ =	shalt  }
0x77: {  	_ =	shalt  }
0x78: {  	_ =	shalt  }
0x79: {  	_ =	shalt  }
0x7a: {  	_ =	shalt  }
0x7b: {  	_ =	shalt  }
0x7c: {  	_ =	shalt  }
0x7d: {  	_ =	shalt  }
0x7e: {  	_ =	shalt  }
0x7f: {  	_ =	shalt  }
0x80: {  	_ =	shalt  }
0x81: {  	_ =	shalt  }
0x82: {  	_ =	shalt  }
0x83: {  	_ =	shalt  }
0x84: {  	_ =	shalt  }
0x85: {  	_ =	shalt  }
0x86: {  	_ =	shalt  }
0x87: {  	_ =	shalt  }
.Lfunc_end0:
.L_simem_size_0:
called_computation_lowered:
.L_overlay_start_0:
0x88: {  	s2 =	sld [smem:$0x3FD9]  }
0x89: {  	s3 =	sld [smem:$0x3FFE];
	_ =	sdelay $0x1  }
0x8a: {  	s1 =	srdreg.scid  }
0x8b: {  	s0 =	sand.u32 $0x1, s1  }
0x8c: {  	s17 =	sshll.u32 s0, $0xA;
	s2 =	sadd.s32 s3, s2  }
0x8d: {  	s2 =	sadd.s32 s2, s17  }
0x8e: {  	[smem:$0x3FC3] =	sst s2  }
0x8f: {  	_ = 	snop  }
0x90: {  	s2 =	sld [smem:$0x3FD0];
	(tm) =	ssettm $0x1  }
0x91: {  	s18 =	sld [smem:$0x3FFB];
	_ =	sdelay $0x3  }
0x92: {  	_ =	strace s18  }
0x93: {  	s3 =	sld [smem:$0x3FFC];
	_ =	sdelay $0x3  }
0x94: {  	_ =	strace s3  }
0x95: {  	s3 =	sld [smem:$0x3FFD];
	_ =	sdelay $0x3  }
0x96: {  	_ =	strace s3  }
0x97: {  	_ =	strace $0x8FFFFFFF  }
0x98: {  	s19 =	sld [smem:$0x3FDB];
	_ =	sdelay $0x1  }
0x99: {  	s4 =	simm.s32 $_scs_section_size  }
0x9a: {  	s5 =	simm.s32 $_size__tile_overlayer_lowered;
	s6 =	simm.s32 $_tile_overlayer_lowered  }
0x9b: {  	s22 =	simm.s32 $0x1BFF;
	s21 =	sshll.u32 s6, $0x1;
	s3 =	sadd.s32 s4, s19  }
0x9c: {  	s7 =	simm.s32 $0x0;
	s20 =	sshll.u32 s5, $0x1;
	s5 =	sadd.s32 s21, s3  }
0x9d: {  	[timem:s7], [sflag:s22] =	dma.local [hbm:s5], s20  }
0x9e: {  	_ =	swait.ge [sflag:s22], s20  }
0x9f: {  	s4 =	ssub.s32 $0x0, s20;
	[sflag:s22] =	ssyncset.done $0x0  }
0xa0: {  	[sflag:s22] =	ssyncadd.s32 s4;
	_ =	sdelay $0x1  }
0xa1: {  	s23 =	simm.s32 $0x1B8B  }
0xa2: {  	_ =	swait.ge [sflag:s23], $0x1  }
0xa3: {  	[sflag:s23] =	ssyncset.done $0x0  }
0xa4: {  	s25 =	simm.s32 $0x1B8E;
	s24 =	sld [smem:$0x3FFE];
	[sflag:s23] =	ssyncadd.s32 $0xFFFFFFFF  }
0xa5: {  	s26 =	simm.s32 $execute0_lowered;
	[smem:$0x3FD2] =	sst s25  }
0xa6: {  	s5 =	sshll.u32 s26, $0x1;
	_ =	strace $0x80000046;
	[dreg:$0x1] =	wrdreg $0xFFFFFFFF  }
0xa7: {  	s28 =	simm.s32 $_size_execute0_lowered;
	s3 =	sadd.s32 s3, s5;
	[dreg:$0x0] =	wrdreg $0x0  }
0xa8: {  	s5 =	sshll.u32 s28, $0x1;
	[dreg:$0x2] =	wrdreg s3  }
0xa9: {  	[dreg:$0x3] =	wrdreg s5  }
0xaa: {  	[dreg:$0x4] =	wrdreg $0xC0  }
0xab: {  	_ =	task [dreg:s7], $0x5FFFF  }
0xac: {  	[dreg:$0x1] =	wrdreg $0xFFFFFFFF  }
0xad: {  	[dreg:$0x0] =	wrdreg $0x60  }
0xae: {  	[dreg:$0x2] =	wrdreg s2  }
0xaf: {  	[dreg:$0x3] =	wrdreg s24  }
0xb0: {  	[dreg:$0x4] =	wrdreg $0x82800  }
0xb1: {  	[dreg:$0x5] =	wrdreg $0x1BE800  }
0xb2: {  	[dreg:$0x6] =	wrdreg $0x9  }
0xb3: {  	_ =	task.clear_ibuf [dreg:s7], $0x7FFFF;
	_ =	strace $0x90000046  }
0xb4: {  	s29 =	simm.s32 $0x9;
	_ =	strace $0x80000048  }
0xb5: {  	_ =	swait.ge [sflag:s29], $0x1  }
0xb6: {  	[sflag:s29] =	ssyncadd.s32 $0xFFFFFFFF  }
0xb7: {  	_ =	strace $0x90000048  }
0xb8: {  	_ =	sfence  }
0xb9: {  	s30 =	sld [smem:$0x0];
	_ =	sdelay $0x2  }
0xba: {  	s31 =	sshll.u32 s1, $0xD;
	s1 =	sshrl.u32 s1, $0x2  }
0xbb: {  	s3 =	sand.u32 $0x4000, s31;
	s1 =	sadd.s32 s1, s30  }
0xbc: {  	s0 =	sor.u32 s3, s0;
	s1 =	sshll.u32 s1, $0x11  }
0xbd: {  	s0 =	sor.u32 s1, s0  }
0xbe: {  	s0 =	sadd.s32 $0x8F2B, s0  }
0xbf: {  	[sflag:s0] =	ssyncadd.remote.s32 $0x1  }
0xc0: {  	_ =	sfence.sel $0xFFFF  }
0xc1: {  	[dreg:$0x0] =	wrdreg $0xFFFFFFFF;
	(pc) =	sbr.abs _section_cstart, $3  }
0xc2: {  	[dreg:$0x1] =	wrdreg $0xFFFFFFFF  }
0xc3: {  	_ =	task.clear_ibuf [dreg:s7], $0x2FFFF;
	_ =	strace $0x9FFFFFFF  }
0xc4: {  	(tm) =	ssettm $0x7FFFFFFF  }
0xc5: {  	_ =	shalt  }
tec
execute0_lowered:
.L_overlay_start_1:
0x0: {  	(tag) =	ssettag $0x1  }
0x1: {  	s1 =	rddreg [dreg:$0x0]  }
0x2: {  	s2 =	rddreg [dreg:$0x1]  }
0x3: {  	s3 =	rddreg [dreg:$0x2]  }
0x4: {  	s4 =	rddreg [dreg:$0x3]  }
0x5: {  	s6 =	simm.s32 $0x0;
	s0 =	srdreg.scid;
	s15 =	stileid.u32  }
0x6: {  	s28 =	simm.s32 $0x4200;
	s29 =	simm.s32 $0x1;
	s30 =	simm.s32 $0x2  }
0x7: {  	s31 =	simm.s32 $0x0;
	[smem:$0x7FF] =	sst s6;
	s8 =	smul.u32 $0x13C00, s15  }
0x8: {  	s0 =	sand.u32 $0x1, s0;
	s7 =	sadd.s32 $0xA000, s2;
	s19 =	smul.u32 $0x280, s15  }
0x9: {  	s9 =	sadd.s32 $0xF400, s2;
	s10 =	sadd.s32 $0xF200, s2;
	s22 =	smul.u32 $0x4F000, s15  }
0xa: {  	s11 =	smul.u32 $0x2800, s15;
	_ =	strace $0x80000047;
	[dreg:$0x5] =	wrdreg s9  }
0xb: {  	s21 =	sadd.s32 $0xF000, s2;
	s5 =	smul.u32 $0x13C000, s0;
	[dreg:$0x6] =	wrdreg s10  }
0xc: {  	s15 =	sshll.u32 s15, $0x6;
	s20 =	smul.u32 $0x2800, s0;
	[dreg:$0x7] =	wrdreg s21  }
0xd: {  	s12 =	ssub.s32 $0x2, s0;
	s13 =	smul.u32 $0x28000, s0;
	p0 =	sne.s32 s0, $0x0  }
0xe: {  	p1 =	seq.s32 s0, $0x0;
	s14 =	sshrl.u32 s12, $0x1;
	s10 =	sshrl.u32 s22, $0x2  }
0xf: {  	s9 =	sadd.s32 s19, s4;
	s24 =	sshrl.u32 s11, $0x3;
	s5 =	sadd.s32 s8, s5  }
0x10: {  	s8 =	sadd.s32 s19, s20;
	s14 =	ssub.s32 s12, s14;
	s12 =	sadd.s32 s11, s13  }
0x11: {  	s10 =	sadd.s32 s10, s3;
	s13 =	sor.u32 $0x1C03, s15;
	s5 =	sshrl.u32 s5, $0x3  }
0x12: {  	s23 =	sshrl.u32 s12, $0x3;
	s26 =	smax.u32 s14, $0x1;
	[dreg:$0x8] =	wrdreg s13  }
0x13: {  	s8 =	sshrl.u32 s8, $0x3;
	s15 =	sadd.s32 s2, s23;
	[dreg:$0xd] =	wrdreg s26  }
0x14: {  	s5 =	sadd.s32 s5, s2;
	[dreg:$0x9] =	wrdreg s15;
	s15 =	sadd.s32 s7, s24  }
0x15: {  	s8 =	sadd.s32 s8, s2;
	s5 =	sadd.s32 $0x12600, s5;
	[dreg:$0xa] =	wrdreg s15  }
0x16: {  	s20 =	simm.s32 $0x3;
	s25 =	sadd.s32 $0x11C00, s8;
	[dreg:$0xb] =	wrdreg s5  }
0x17: {  	s23 =	simm.s32 $0x100;
	s8 =	sshrl.u32 s9, $0x3;
	[dreg:$0xc] =	wrdreg s25  }
0x18: {  	s26 =	simm.s32 $0x180;
	s5 =	sshrl.u32 s10, $0x3;
	[dreg:$0xf] =	wrdreg s8  }
0x19: {  	s24 =	simm.s32 $0x80;
	s25 =	simm.s32 $0x200;
	[dreg:$0xe] =	wrdreg s5  }
.LBB2_1:
0x1a: {  	s0 =	rddreg [dreg:$0x5]  }
0x1b: {  	[spmem:s5], [sflag:s13] =	dma.local [hbm:s0], $0x2780  }
0x1c: {  	_ =	swait.ge [sflag:s20], $0x2780  }
0x1d: {  	[sflag:s20] =	ssyncset.done $0x0  }
0x1e: {  	s10 =	rddreg [dreg:$0x6];
	[sflag:s20] =	ssyncadd.s32 $0xFFFFD880  }
0x1f: {  	[spmem:s8], [sflag:s13] =	dma.local [hbm:s10], $0x50  }
0x20: {  	_ =	swait.ge [sflag:s20], $0x50  }
0x21: {  	[sflag:s20] =	ssyncset.done $0x0  }
0x22: {  	s14 =	simm.s32 $0x8200;
	s13 =	rddreg [dreg:$0x7];
	[sflag:s20] =	ssyncadd.s32 $0xFFFFFFB0  }
0x23: {  	[tilespmem:s14], [sflag:$0x3] =	stream.linear.gather [hbm4b:s13+s6], $0x80, $0x38;
	[tilespmem:$0x1C100] =	vst v63  }
0x24: {  	_ =	swait.ge [sflag:s20], $0x80  }
0x25: {  	[sflag:s20] =	ssyncset.done $0x0  }
0x26: {  	[sflag:s20] =	ssyncadd.s32 $0xFFFFFF80  }
0x27: {  	[bflag:$0x0] =	sbarrier.arrive $0xFFFF  }
0x28: {  	s15 =	rddreg [dreg:$0x9]  }
0x29: {  	[tilespmem:s6], [sflag:$0x3] =	stream.linear.gather [hbm4b:s15+s6], $0x80, $0x38;
	[tilespmem:$0x1C100] =	vst v63  }
0x2a: {  	_ =	swait.ge [sflag:s20], $0x80  }
0x2b: {  	s17 =	sand.u32 $0x3C00, s6;
	[sflag:s20] =	ssyncset.done $0x0  }
0x2c: {  	s18 =	sand.u32 $0x300, s6;
	s16 =	rddreg [dreg:$0xa];
	[sflag:s20] =	ssyncadd.s32 $0xFFFFFF80  }
0x2d: {  	[tilespmem:s23], [sflag:$0x3] =	stream.linear.gather [hbm4b:s16+s6], $0x80, $0x38;
	[tilespmem:$0x1C100] =	vst v63  }
0x2e: {  	s19 =	sadd.s32 s12, s17;
	s5 =	sor.u32 $0x80, s18;
	_ =	swait.ge [sflag:s20], $0x80  }
0x2f: {  	s8 =	sor.u32 s5, s19;
	[sflag:s20] =	ssyncset.done $0x0  }
0x30: {  	s8 =	sshrl.u32 s8, $0x3;
	[sflag:s20] =	ssyncadd.s32 $0xFFFFFF80  }
0x31: {  	[tilespmem:s25], [sflag:$0x1] =	stream.indirect.gather [hbm4b:s1+s24], $0x80, s6, s24, $0xb8;
	[tilespmem:$0x1C100] =	vst v63  }
0x32: {  	s0 =	sadd.s32 s11, s17;
	s8 =	sadd.s32 s2, s8  }
0x33: {  	[tilespmem:s24], [sflag:$0x3] =	stream.linear.gather [hbm4b:s8+s6], $0x80, $0x38;
	[tilespmem:$0x1C100] =	vst v63  }
0x34: {  	s0 =	sor.u32 s5, s0;
	_ =	swait.ge [sflag:s20], $0x80  }
0x35: {  	s0 =	sshrl.u32 s0, $0x3;
	[sflag:s20] =	ssyncset.done $0x0  }
0x36: {  	s0 =	sadd.s32 s7, s0;
	[sflag:s20] =	ssyncadd.s32 $0xFFFFFF80  }
0x37: {  	[tilespmem:s26], [sflag:$0x3] =	stream.linear.gather [hbm4b:s0+s6], $0x80, $0x38;
	[tilespmem:$0x1C100] =	vst v63  }
0x38: {  	_ =	swait.ge [sflag:s20], $0x80  }
0x39: {  	[sflag:s20] =	ssyncset.done $0x0  }
0x3a: {  	s22 =	simm.s32 @!p0 $0x100;
	[sflag:s20] =	ssyncadd.s32 $0xFFFFFF80  }
0x3b: {  	[tilespmem:s28], [sflag:$0x2] =	stream.indirect.gather [hbm4b:s1+s24], $0x80, s24, s24, $0xb8;
	[tilespmem:$0x1C100] =	vst v63  }
0x3c: {  	s5 =	simm.s32 @!p0 $0x80;
	s8 =	simm.s32 @!p0 $0x8200;
	s0 =	simm.s32 @!p0 $0x3  }
0x3d: {  	[spmem:s4] =	stream.indirect.scatter.add.f32 @!p0 [tilespmem:s8], [sflag:$0x3], $0x1, s22, s5, $0xb8;
	[tilespmem:$0x1C100] =	vst v63  }
0x3e: {  	_ =	swait.ge @!p0 [sflag:s0], $0x80  }
0x3f: {  	p2 =	por $0x0, $0x0;
	[sflag:s0] =	ssyncset.done @!p0 $0x0  }
0x40: {  	s9 =	simm.s32 @!p2 $0x100;
	[sflag:s0] =	ssyncadd.s32 @!p0 $0xFFFFFF80  }
0x41: {  	s10 =	sand.u32 @!p2 $0x7C00, s9;
	_ =	swait.ge [sflag:s29], $0x4000  }
0x42: {  	s9 =	sand.u32 @!p2 $0x300, s9;
	s14 =	sadd.s32 @!p2 s12, s10;
	[sflag:s29] =	ssyncset.done $0x0  }
0x43: {  	s14 =	sor.u32 @!p2 s9, s14;
	[sflag:s29] =	ssyncadd.s32 $0xFFFFC000  }
0x44: {  	[spmem:s3] =	stream.indirect.scatter.add.f32 [tilespmem:s25], [sflag:$0x3], $0x80, s23, s24, $0xb8;
	[tilespmem:$0x1C100] =	vst v63  }
0x45: {  	s14 =	sshrl.u32 @!p2 s14, $0x3;
	_ =	swait.ge [sflag:s20], $0x4000  }
0x46: {  	s10 =	sadd.s32 @!p2 s11, s10;
	s14 =	sadd.s32 @!p2 s2, s14;
	[sflag:s20] =	ssyncset.done $0x0  }
0x47: {  	s15 =	simm.s32 @!p2 $0x3;
	s16 =	simm.s32 @!p2 $0x0;
	[sflag:s20] =	ssyncadd.s32 $0xFFFFC000  }
0x48: {  	[tilespmem:s16], [sflag:$0x3] =	stream.linear.gather @!p2 [hbm4b:s14+s16], $0x80, $0x38;
	[tilespmem:$0x1C100] =	vst v63  }
0x49: {  	s9 =	sor.u32 @!p2 s9, s10;
	_ =	swait.ge @!p2 [sflag:s15], $0x80  }
0x4a: {  	s9 =	sshrl.u32 @!p2 s9, $0x3;
	[sflag:s15] =	ssyncset.done @!p2 $0x0  }
0x4b: {  	s10 =	simm.s32 @!p2 $0x100;
	s9 =	sadd.s32 @!p2 s7, s9;
	[sflag:s15] =	ssyncadd.s32 @!p2 $0xFFFFFF80  }
0x4c: {  	[tilespmem:s10], [sflag:$0x3] =	stream.linear.gather @!p2 [hbm4b:s9+s16], $0x80, $0x38;
	[tilespmem:$0x1C100] =	vst v63  }
0x4d: {  	_ =	swait.ge @!p2 [sflag:s15], $0x80  }
0x4e: {  	s17 =	simm.s32 @!p2 $0x200;
	s14 =	simm.s32 @!p2 $0x80;
	[sflag:s15] =	ssyncset.done @!p2 $0x0  }
0x4f: {  	s9 =	simm.s32 $0x100;
	s10 =	simm.s32 @!p1 $0x8200;
	[sflag:s15] =	ssyncadd.s32 @!p2 $0xFFFFFF80  }
0x50: {  	[tilespmem:s17], [sflag:$0x1] =	stream.indirect.gather @!p2 [hbm4b:s1+s14], $0x80, s16, s14, $0xb8;
	[tilespmem:$0x1C100] =	vst v63  }
0x51: {  	s15 =	simm.s32 @!p1 $0x180;
	s14 =	simm.s32 @!p1 $0x80;
	s16 =	simm.s32 @!p1 $0x3  }
0x52: {  	[spmem:s4] =	stream.indirect.scatter.add.f32 @!p1 [tilespmem:s10], [sflag:$0x3], $0x1, s15, s14, $0xb8;
	[tilespmem:$0x1C100] =	vst v63  }
0x53: {  	s21 =	sand.u32 $0x3C00, s9;
	_ =	swait.ge @!p1 [sflag:s16], $0x80  }
0x54: {  	s18 =	sand.u32 $0x300, s9;
	s19 =	sadd.s32 s12, s21;
	[sflag:s16] =	ssyncset.done @!p1 $0x0  }
0x55: {  	s18 =	sor.u32 $0x80, s18;
	s17 =	sadd.s32 s11, s21;
	[sflag:s16] =	ssyncadd.s32 @!p1 $0xFFFFFF80  }
0x56: {  	s21 =	sor.u32 s18, s19;
	s19 =	sor.u32 s18, s17;
	_ =	swait.ge [sflag:s30], $0x4000  }
0x57: {  	s17 =	simm.s32 $0x200;
	s21 =	sshrl.u32 s21, $0x3;
	[sflag:s30] =	ssyncset.done $0x0  }
.LBB2_2:
0x58: {  	[sflag:s30] =	ssyncadd.s32 $0xFFFFC000;
	s18 =	smov.u32 s17;
	s17 =	sadd.s32 $0x100, s17  }
0x59: {  	[spmem:s3] =	stream.indirect.scatter.add.f32 [tilespmem:s28], [sflag:$0x3], $0x80, s26, s24, $0xb8;
	[tilespmem:$0x1C100] =	vst v63  }
0x5a: {  	p2 =	sne.s32 s17, $0x2800;
	_ =	swait.ge [sflag:s20], $0x4000  }
0x5b: {  	s21 =	sadd.s32 s2, s21;
	[sflag:s20] =	ssyncset.done $0x0  }
0x5c: {  	[sflag:s20] =	ssyncadd.s32 $0xFFFFC000  }
0x5d: {  	[tilespmem:s24], [sflag:$0x3] =	stream.linear.gather [hbm4b:s21+s6], $0x80, $0x38;
	[tilespmem:$0x1C100] =	vst v63  }
0x5e: {  	s19 =	sshrl.u32 s19, $0x3;
	_ =	swait.ge [sflag:s20], $0x80  }
0x5f: {  	s19 =	sadd.s32 s7, s19;
	[sflag:s20] =	ssyncset.done $0x0  }
0x60: {  	[sflag:s20] =	ssyncadd.s32 $0xFFFFFF80  }
0x61: {  	[tilespmem:s26], [sflag:$0x3] =	stream.linear.gather [hbm4b:s19+s6], $0x80, $0x38;
	[tilespmem:$0x1C100] =	vst v63  }
0x62: {  	_ =	swait.ge [sflag:s20], $0x80  }
0x63: {  	[sflag:s20] =	ssyncset.done $0x0  }
0x64: {  	[sflag:s20] =	ssyncadd.s32 $0xFFFFFF80  }
0x65: {  	[tilespmem:s28], [sflag:$0x2] =	stream.indirect.gather [hbm4b:s1+s24], $0x80, s24, s24, $0xb8;
	[tilespmem:$0x1C100] =	vst v63  }
0x66: {  	_ = 	snop  }
0x67: {  	[spmem:s4] =	stream.indirect.scatter.add.f32 @!p0 [tilespmem:s8], [sflag:$0x3], $0x1, s22, s5, $0xb8;
	[tilespmem:$0x1C100] =	vst v63  }
0x68: {  	_ =	swait.ge @!p0 [sflag:s0], $0x80  }
0x69: {  	[sflag:s0] =	ssyncset.done @!p0 $0x0  }
0x6a: {  	p3 =	seq.s32 s9, $0x2700;
	[sflag:s0] =	ssyncadd.s32 @!p0 $0xFFFFFF80  }
0x6b: {  	s9 =	sadd.s32 @!p3 $0x100, s9;
	s19 =	simm.s32 @!p3 $0x3;
	_ =	swait.ge [sflag:s29], $0x4000  }
0x6c: {  	s21 =	sand.u32 @!p3 $0x7C00, s9;
	s9 =	sand.u32 @!p3 $0x300, s9;
	[sflag:s29] =	ssyncset.done $0x0  }
0x6d: {  	s13 =	sadd.s32 @!p3 s12, s21;
	s21 =	sadd.s32 @!p3 s11, s21;
	[sflag:s29] =	ssyncadd.s32 $0xFFFFC000  }
0x6e: {  	[spmem:s3] =	stream.indirect.scatter.add.f32 [tilespmem:s25], [sflag:$0x3], $0x80, s23, s24, $0xb8;
	[tilespmem:$0x1C100] =	vst v63  }
0x6f: {  	s13 =	sor.u32 @!p3 s9, s13;
	s9 =	sor.u32 @!p3 s9, s21;
	_ =	swait.ge [sflag:s20], $0x4000  }
0x70: {  	s21 =	simm.s32 @!p3 $0x0;
	s13 =	sshrl.u32 @!p3 s13, $0x3;
	[sflag:s20] =	ssyncset.done $0x0  }
0x71: {  	s9 =	sshrl.u32 @!p3 s9, $0x3;
	s13 =	sadd.s32 @!p3 s2, s13;
	[sflag:s20] =	ssyncadd.s32 $0xFFFFC000  }
0x72: {  	[tilespmem:s21], [sflag:$0x3] =	stream.linear.gather @!p3 [hbm4b:s13+s21], $0x80, $0x38;
	[tilespmem:$0x1C100] =	vst v63  }
0x73: {  	s13 =	sadd.s32 @!p3 s7, s9;
	s9 =	smov.u32 s18;
	_ =	swait.ge @!p3 [sflag:s19], $0x80  }
0x74: {  	s18 =	simm.s32 @!p3 $0x100;
	[sflag:s19] =	ssyncset.done @!p3 $0x0  }
0x75: {  	[sflag:s19] =	ssyncadd.s32 @!p3 $0xFFFFFF80  }
0x76: {  	[tilespmem:s18], [sflag:$0x3] =	stream.linear.gather @!p3 [hbm4b:s13+s21], $0x80, $0x38;
	[tilespmem:$0x1C100] =	vst v63  }
0x77: {  	_ =	swait.ge @!p3 [sflag:s19], $0x80  }
0x78: {  	s13 =	simm.s32 @!p3 $0x80;
	s18 =	simm.s32 @!p3 $0x200;
	[sflag:s19] =	ssyncset.done @!p3 $0x0  }
0x79: {  	[sflag:s19] =	ssyncadd.s32 @!p3 $0xFFFFFF80  }
0x7a: {  	[tilespmem:s18], [sflag:$0x1] =	stream.indirect.gather @!p3 [hbm4b:s1+s13], $0x80, s21, s13, $0xb8;
	[tilespmem:$0x1C100] =	vst v63  }
0x7b: {  	_ = 	snop  }
0x7c: {  	[spmem:s4] =	stream.indirect.scatter.add.f32 @!p1 [tilespmem:s10], [sflag:$0x3], $0x1, s15, s14, $0xb8;
	[tilespmem:$0x1C100] =	vst v63  }
.Ltmp0:
0x7d: {  	_ =	swait.ge @!p1 [sflag:s16], $0x80;
	(pc) =	sbr.rel @p2 .LBB2_2-.Ltmp0, $4  }
0x7e: {  	s13 =	sand.u32 $0x3C00, s9;
	s18 =	sand.u32 $0x300, s9;
	[sflag:s16] =	ssyncset.done @!p1 $0x0  }
0x7f: {  	s19 =	sadd.s32 s12, s13;
	s18 =	sor.u32 $0x80, s18;
	[sflag:s16] =	ssyncadd.s32 @!p1 $0xFFFFFF80  }
0x80: {  	s13 =	sadd.s32 s11, s13;
	s19 =	sor.u32 s18, s19;
	_ =	swait.ge [sflag:s30], $0x4000  }
0x81: {  	s21 =	sshrl.u32 s19, $0x3;
	s19 =	sor.u32 s18, s13;
	[sflag:s30] =	ssyncset.done $0x0  }
0x82: {  	[sflag:s30] =	ssyncadd.s32 $0xFFFFC000  }
0x83: {  	[spmem:s3] =	stream.indirect.scatter.add.f32 [tilespmem:s28], [sflag:$0x3], $0x80, s26, s24, $0xb8;
	[tilespmem:$0x1C100] =	vst v63  }
0x84: {  	_ =	swait.ge [sflag:s20], $0x4000  }
0x85: {  	[sflag:s20] =	ssyncset.done $0x0  }
0x86: {  	s0 =	sadd.s32 s2, s21;
	[sflag:s20] =	ssyncadd.s32 $0xFFFFC000  }
0x87: {  	[tilespmem:s24], [sflag:$0x3] =	stream.linear.gather [hbm4b:s0+s6], $0x80, $0x38;
	[tilespmem:$0x1C100] =	vst v63  }
0x88: {  	_ =	swait.ge [sflag:s20], $0x80  }
0x89: {  	s18 =	sshrl.u32 s19, $0x3;
	[sflag:s20] =	ssyncset.done $0x0  }
0x8a: {  	s0 =	sadd.s32 s7, s18;
	[sflag:s20] =	ssyncadd.s32 $0xFFFFFF80  }
0x8b: {  	[tilespmem:s26], [sflag:$0x3] =	stream.linear.gather [hbm4b:s0+s6], $0x80, $0x38;
	[tilespmem:$0x1C100] =	vst v63  }
0x8c: {  	_ =	swait.ge [sflag:s20], $0x80  }
0x8d: {  	[sflag:s20] =	ssyncset.done $0x0  }
0x8e: {  	[sflag:s20] =	ssyncadd.s32 $0xFFFFFF80  }
0x8f: {  	[tilespmem:s28], [sflag:$0x2] =	stream.indirect.gather [hbm4b:s1+s24], $0x80, s24, s24, $0xb8;
	[tilespmem:$0x1C100] =	vst v63  }
0x90: {  	s5 =	simm.s32 @!p0 $0x100;
	s8 =	simm.s32 @!p0 $0x8200;
	s0 =	simm.s32 @!p0 $0x80  }
0x91: {  	[spmem:s4] =	stream.indirect.scatter.add.f32 @!p0 [tilespmem:s8], [sflag:$0x3], $0x1, s5, s0, $0xb8;
	[tilespmem:$0x1C100] =	vst v63  }
0x92: {  	s0 =	simm.s32 @!p0 $0x3  }
0x93: {  	_ =	swait.ge @!p0 [sflag:s0], $0x80  }
0x94: {  	[sflag:s0] =	ssyncset.done @!p0 $0x0  }
0x95: {  	p2 =	seq.s32 s9, $0x2700;
	[sflag:s0] =	ssyncadd.s32 @!p0 $0xFFFFFF80  }
0x96: {  	s0 =	sadd.s32 @!p2 $0x100, s9;
	_ =	swait.ge [sflag:s29], $0x4000  }
0x97: {  	s5 =	sand.u32 @!p2 $0x7C00, s0;
	[sflag:s29] =	ssyncset.done $0x0  }
0x98: {  	s0 =	sand.u32 @!p2 $0x300, s0;
	s8 =	sadd.s32 @!p2 s12, s5;
	[sflag:s29] =	ssyncadd.s32 $0xFFFFC000  }
0x99: {  	[spmem:s3] =	stream.indirect.scatter.add.f32 [tilespmem:s25], [sflag:$0x3], $0x80, s23, s24, $0xb8;
	[tilespmem:$0x1C100] =	vst v63  }
0x9a: {  	s8 =	sor.u32 @!p2 s0, s8;
	_ =	swait.ge [sflag:s20], $0x4000  }
0x9b: {  	s8 =	sshrl.u32 @!p2 s8, $0x3;
	[sflag:s20] =	ssyncset.done $0x0  }
0x9c: {  	s9 =	simm.s32 @!p2 $0x0;
	s8 =	sadd.s32 @!p2 s2, s8;
	[sflag:s20] =	ssyncadd.s32 $0xFFFFC000  }
0x9d: {  	[tilespmem:s9], [sflag:$0x3] =	stream.linear.gather @!p2 [hbm4b:s8+s9], $0x80, $0x38;
	[tilespmem:$0x1C100] =	vst v63  }
0x9e: {  	s5 =	sadd.s32 @!p2 s11, s5;
	s8 =	simm.s32 @!p2 $0x3  }
0x9f: {  	s0 =	sor.u32 @!p2 s0, s5;
	_ =	swait.ge @!p2 [sflag:s8], $0x80  }
0xa0: {  	s0 =	sshrl.u32 @!p2 s0, $0x3;
	[sflag:s8] =	ssyncset.done @!p2 $0x0  }
0xa1: {  	s5 =	simm.s32 @!p2 $0x100;
	s0 =	sadd.s32 @!p2 s7, s0;
	[sflag:s8] =	ssyncadd.s32 @!p2 $0xFFFFFF80  }
0xa2: {  	[tilespmem:s5], [sflag:$0x3] =	stream.linear.gather @!p2 [hbm4b:s0+s9], $0x80, $0x38;
	[tilespmem:$0x1C100] =	vst v63  }
0xa3: {  	_ =	swait.ge @!p2 [sflag:s8], $0x80  }
0xa4: {  	[sflag:s8] =	ssyncset.done @!p2 $0x0  }
0xa5: {  	s0 =	simm.s32 @!p2 $0x80;
	s5 =	simm.s32 @!p2 $0x200;
	[sflag:s8] =	ssyncadd.s32 @!p2 $0xFFFFFF80  }
0xa6: {  	[tilespmem:s5], [sflag:$0x1] =	stream.indirect.gather @!p2 [hbm4b:s1+s0], $0x80, s9, s0, $0xb8;
	[tilespmem:$0x1C100] =	vst v63  }
0xa7: {  	s8 =	simm.s32 @!p1 $0x180;
	s0 =	simm.s32 @!p1 $0x8200;
	s5 =	simm.s32 @!p1 $0x80  }
0xa8: {  	[spmem:s4] =	stream.indirect.scatter.add.f32 @!p1 [tilespmem:s0], [sflag:$0x3], $0x1, s8, s5, $0xb8;
	[tilespmem:$0x1C100] =	vst v63  }
0xa9: {  	s0 =	simm.s32 @!p1 $0x3  }
0xaa: {  	_ =	swait.ge @!p1 [sflag:s0], $0x80  }
0xab: {  	[sflag:s0] =	ssyncset.done @!p1 $0x0  }
0xac: {  	[sflag:s0] =	ssyncadd.s32 @!p1 $0xFFFFFF80  }
0xad: {  	_ =	swait.ge [sflag:s30], $0x4000  }
0xae: {  	[sflag:s30] =	ssyncset.done $0x0  }
0xaf: {  	[sflag:s30] =	ssyncadd.s32 $0xFFFFC000  }
0xb0: {  	[spmem:s3] =	stream.indirect.scatter.add.f32 [tilespmem:s28], [sflag:$0x3], $0x80, s26, s24, $0xb8;
	[tilespmem:$0x1C100] =	vst v63  }
0xb1: {  	_ =	swait.ge [sflag:s20], $0x4000  }
0xb2: {  	[sflag:s20] =	ssyncset.done $0x0  }
0xb3: {  	[sflag:s20] =	ssyncadd.s32 $0xFFFFC000  }
0xb4: {  	[bflag:$0x0] =	sbarrier.arrive $0xFFFF  }
0xb5: {  	s13 =	rddreg [dreg:$0x8]  }
0xb6: {  	s19 =	rddreg [dreg:$0xb]  }
0xb7: {  	s5 =	rddreg [dreg:$0xe]  }
0xb8: {  	[hbm:s19], [sflag:s13] =	dma.local [spmem:s5], $0x2780  }
0xb9: {  	_ =	swait.ge [sflag:s20], $0x2780  }
0xba: {  	[sflag:s20] =	ssyncset.done $0x0;
	s21 =	rddreg [dreg:$0xc]  }
0xbb: {  	s8 =	rddreg [dreg:$0xf];
	[sflag:s20] =	ssyncadd.s32 $0xFFFFD880  }
0xbc: {  	[hbm:s21], [sflag:s13] =	dma.local [spmem:s8], $0x50  }
0xbd: {  	_ =	swait.ge [sflag:s20], $0x50  }
0xbe: {  	s31 =	sadd.s32 $0x1, s31;
	s22 =	rddreg [dreg:$0xd]  }
0xbf: {  	p2 =	sne.s32 s31, s22  }
.Ltmp1:
0xc0: {  	_ = 	snop;
	(pc) =	sbr.rel @p2 .LBB2_1-.Ltmp1, $3  }
0xc1: {  	_ =	sdelay $0x1  }
0xc2: {  	[sflag:s20] =	ssyncset.done $0x0  }
0xc3: {  	[sflag:s20] =	ssyncadd.s32 $0xFFFFFFB0  }
0xc4: {  	_ =	sfence.sel $0x180000  }
0xc5: {  	[bflag:$0x0] =	sbarrier.arrive $0xFFFF  }
0xc6: {  	_ =	strace $0x90000047  }
0xc7: {  	s0 =	stileid.u32;
	[bflag:$0x2] =	sbarrier.arrive $0xFFFF  }
0xc8: {  	p0 =	sne.s32 s0, $0x0;
	s0 =	rddreg [dreg:$0x4]  }
0xc9: {  	s0 =	sadd.s32 @!p0 $0x100000, s0  }
0xca: {  	[sflag:s0] =	ssyncadd.tile.s32 @!p0 $0x1;
	_ =	shalt  }
.Lfunc_end2:
_tile_overlayer_lowered:
.L_overlay_start_2:
0xcb: {  	(tag) =	ssettag $0x2  }
0xcc: {  	s0 =	rddreg [dreg:$0x0];
	s2 =	stileid.u32  }
0xcd: {  	s1 =	rddreg [dreg:$0x1];
	p0 =	sne.s32 s2, $0x0  }
0xce: {  	s3 =	rddreg [dreg:$0x2];
	[bflag:$0x3] =	sbarrier.arrive $0xFFFF;
	s2 =	simm.s32 @!p0 $0x1C03  }
0xcf: {  	[timem:s3], [sflag:s2] =	dma.local @!p0 [hbm:s0], s1  }
0xd0: {  	s0 =	simm.s32 @!p0 $0x3  }
0xd1: {  	_ =	swait.ge @!p0 [sflag:s0], s1  }
0xd2: {  	s1 =	ssub.s32 @!p0 $0x0, s1;
	[sflag:s0] =	ssyncset.done @!p0 $0x0  }
0xd3: {  	[sflag:s0] =	ssyncadd.s32 @!p0 s1  }
0xd4: {  	[bflag:$0x3] =	sbarrier.arrive $0xFFFF  }
0xd5: {  	_ =	shalt  }

</sc_bundles>
